<compile_context>
chip_gen: v7x
topology: tpu7x:2x2x1
jax: 0.10.2.dev20260603
libtpu: 0.0.44.dev20260713+nightly
codegen_flags: <defaults>
</compile_context>

<pallas_src>
import functools

import jax
import jax.numpy as jnp
from jax import lax
from jax.experimental import pallas as pl
from jax.experimental.pallas import tpu as pltpu
from jax.experimental.pallas import tpu_sc as plsc

K = 5
NUM_REF = 100
D = 128
B = 16384
NPAD = 128
BLOCK_B = 2048
B_SC = 8192

_INFO = plsc.get_sparse_core_info()
NW = _INFO.num_cores * _INFO.num_subcores
LANES = _INFO.num_lanes
ROWS_W = B_SC // NW
GROUPS = ROWS_W // LANES


def _scores_body(x_ref, r_ref, rn_ref, out_ref):
    x = x_ref[...]
    r = r_ref[...]
    d = lax.dot_general(r, x, (((1,), (1,)), ((), ())),
                        preferred_element_type=jnp.float32,
                        precision=lax.Precision.HIGHEST)
    out_ref[...] = rn_ref[...] - 2.0 * d


def _topk_body(s_hbm, out_hbm, sv, out_v):
    wid = lax.axis_index("s") * _INFO.num_cores + lax.axis_index("c")
    base = wid * ROWS_W
    pltpu.sync_copy(s_hbm.at[:, pl.ds(base, ROWS_W)], sv)

    def swap(va, ia, vb, ib):
        cond = vb < va
        return (jnp.where(cond, vb, va), jnp.where(cond, ib, ia),
                jnp.where(cond, va, vb), jnp.where(cond, ia, ib))

    def insert(st, c, ji):
        v0, v1, v2, v3, v4, i0, i1, i2, i3, i4 = st
        cond = c < v4
        v4 = jnp.where(cond, c, v4)
        i4 = jnp.where(cond, ji, i4)
        v3, i3, v4, i4 = swap(v3, i3, v4, i4)
        v2, i2, v3, i3 = swap(v2, i2, v3, i3)
        v1, i1, v2, i2 = swap(v1, i1, v2, i2)
        v0, i0, v1, i1 = swap(v0, i0, v1, i1)
        return (v0, v1, v2, v3, v4, i0, i1, i2, i3, i4)

    for g in range(0, GROUPS, 2):
        col_a = g * LANES
        col_b = col_a + LANES

        def body(j, st2):
            sta, stb = st2
            ca = sv[j, pl.ds(col_a, LANES)]
            cb = sv[j, pl.ds(col_b, LANES)]
            ji = jnp.full((LANES,), 0, jnp.int32) + j
            return (insert(sta, ca, ji), insert(stb, cb, ji))

        big = jnp.full((LANES,), 3.5e38, jnp.float32)
        zero = jnp.full((LANES,), 0, jnp.int32)
        init = (big,) * K + (zero,) * K
        sta, stb = lax.fori_loop(0, NUM_REF, body, (init, init))
        for k in range(K):
            out_v[k, pl.ds(col_a, LANES)] = sta[K + k]
            out_v[k, pl.ds(col_b, LANES)] = stb[K + k]

    pltpu.sync_copy(out_v, out_hbm.at[:, pl.ds(base, ROWS_W)])


@functools.partial(
    pl.kernel,
    out_type=jax.ShapeDtypeStruct((K, B_SC), jnp.int32),
    mesh=plsc.VectorSubcoreMesh(core_axis_name="c", subcore_axis_name="s"),
    scratch_types=[
        pltpu.VMEM((NUM_REF, ROWS_W), jnp.float32),
        pltpu.VMEM((K, ROWS_W), jnp.int32),
    ],
)
def _sc_topk(s_hbm, out_hbm, sv, out_v):
    _topk_body(s_hbm, out_hbm, sv, out_v)


def _knn_fused_body(x_ref, r_ref, rn_ref, out_ref):
    x = x_ref[...]
    r = r_ref[...]
    d = lax.dot_general(x, r, (((1,), (1,)), ((), ())),
                        preferred_element_type=jnp.float32,
                        precision=lax.Precision.HIGHEST)
    iota = lax.broadcasted_iota(jnp.int32, (BLOCK_B, NPAD), 1).astype(
        jnp.float32)
    pad = jnp.pad(d, ((0, 0), (0, NPAD - NUM_REF)))
    s = jnp.where(iota < float(NUM_REF), rn_ref[...] - 2.0 * pad,
                  jnp.float32(3e38))
    cols = []
    for _ in range(K):
        m = jnp.min(s, axis=1, keepdims=True)
        is_min = s == m
        idx = jnp.min(jnp.where(is_min, iota, jnp.float32(3e38)), axis=1)
        cols.append(idx)
        s = jnp.where(is_min, jnp.float32(jnp.inf), s)
    out_ref[...] = jnp.stack(cols, axis=1).astype(jnp.int32)


@jax.jit
def kernel(inputs, reference_points):
    rn = jnp.sum(reference_points * reference_points, axis=1)
    rn_col = rn[:, None]
    rn_row = jnp.pad(rn, (0, NPAD - NUM_REF))[None, :]

    scores_t = pl.pallas_call(
        _scores_body,
        grid=(B_SC // BLOCK_B,),
        in_specs=[
            pl.BlockSpec((BLOCK_B, D), lambda i: (i, 0)),
            pl.BlockSpec((NUM_REF, D), lambda i: (0, 0)),
            pl.BlockSpec((NUM_REF, 1), lambda i: (0, 0)),
        ],
        out_specs=pl.BlockSpec((NUM_REF, BLOCK_B), lambda i: (0, i)),
        out_shape=jax.ShapeDtypeStruct((NUM_REF, B_SC), jnp.float32),
    )(inputs, reference_points, rn_col)
    out_sc = _sc_topk(scores_t)

    n_tc = B - B_SC
    off = B_SC // BLOCK_B
    out_tc = pl.pallas_call(
        _knn_fused_body,
        grid=(n_tc // BLOCK_B,),
        in_specs=[
            pl.BlockSpec((BLOCK_B, D), lambda i: (i + off, 0)),
            pl.BlockSpec((NUM_REF, D), lambda i: (0, 0)),
            pl.BlockSpec((1, NPAD), lambda i: (0, 0)),
        ],
        out_specs=pl.BlockSpec((BLOCK_B, K), lambda i: (i, 0)),
        out_shape=jax.ShapeDtypeStruct((n_tc, K), jnp.int32),
    )(inputs, reference_points, rn_row)

    return jnp.concatenate([out_sc.T, out_tc], axis=0)

# --- scband reference (transcript-rebuilt; emitter-appended) ---
"""Pipeline reference for scband-knnlayer-74586402062895 (READ-ONLY COPY).

The authoritative reference and input builder live on the scoring server;
editing this copy changes nothing except your own understanding.
"""

import jax, jax.numpy as jnp
import numpy as np

K = 5
NUM_REF = 100
D = 128
B = 16384


def setup_inputs(seed: int = 0) -> dict:
    key = jax.random.key(seed)
    k1, k2 = jax.random.split(key)
    inputs = jax.random.normal(k1, (B, D), dtype=jnp.float32)
    # keras 'random_normal' initializer: mean=0, stddev=0.05
    reference_points = jax.random.normal(k2, (NUM_REF, D), dtype=jnp.float32) * 0.05
    return {"inputs": inputs, "reference_points": reference_points}


def reference(inputs, reference_points):
    # inputs: [B, D]; reference_points: [NUM_REF, D]
    inputs_expanded = inputs[:, None, :]            # [B, 1, D]
    ref_expanded = reference_points[None, :, :]     # [1, NUM_REF, D]
    diff = inputs_expanded - ref_expanded           # [B, NUM_REF, D]
    distances = jnp.linalg.norm(diff, axis=-1)      # [B, NUM_REF]
    # tf.math.top_k(-distances, k) -> indices of k smallest distances
    _, indices = jax.lax.top_k(-distances, K)       # [B, K]
    return indices

if __name__ == "__main__":
    import jax
    _d = setup_inputs()
    print(jax.jit(kernel)(*tuple(_d.values())))

</pallas_src>

<mosaic_0001>
#map = affine_map<(d0, d1) -> (0, 0)>
module attributes {stable_mosaic.version = 14 : i64} {
  func.func @_sc_topk(%arg0: i32, %arg1: i32, %arg2: memref<100x8192xf32, #tpu.memory_space<hbm>>, %arg3: memref<5x8192xi32, #tpu.memory_space<hbm>>, %arg4: memref<100x256xf32, #tpu.memory_space<vmem>>, %arg5: memref<5x256xi32, #tpu.memory_space<vmem>>) attributes {dimension_semantics = [#tpu.dimension_semantics<core_parallel>, #tpu.dimension_semantics<subcore_parallel>], iteration_bounds = array<i64: 2, 16>, scalar_prefetch = 0 : i64, scratch_operands = 2 : i64, tpu.core_type = #tpu.core_type<sc_vector_subcore>, window_params = [{transform_indices = #map}, {transform_indices = #map}]} {
    %mul3A = arith.constant 2 : i32
    %mul3A_0 = arith.muli %arg1, %mul3A : i32
    %add3A = arith.addi %mul3A_0, %arg0 : i32
    %mul3A_1 = arith.constant 256 : i32
    %mul3A_2 = arith.muli %add3A, %mul3A_1 : i32
    "tpu.region"() ({
      %run_scoped3A = tpu.sem_alloc : memref<!tpu.dma_semaphore, #tpu.memory_space<semaphore_mem>>
      %dma_start3A = arith.constant 0 : i32
      %dma_start3A_560 = tpu.memref_slice %arg2[%dma_start3A, %mul3A_2] : memref<100x8192xf32, #tpu.memory_space<hbm>> -> memref<100x256xf32, #tpu.memory_space<hbm>>
      %dma_start3A_561 = arith.constant 0 : i32
      %dma_start3A_562 = tpu.memref_slice %arg2[%dma_start3A_561, %mul3A_2] : memref<100x8192xf32, #tpu.memory_space<hbm>> -> memref<100x256xf32, #tpu.memory_space<hbm>>
      tpu.enqueue_dma source(%dma_start3A_562 : memref<100x256xf32, #tpu.memory_space<hbm>>) target(%arg4 : memref<100x256xf32, #tpu.memory_space<vmem>>) target_semaphore(%run_scoped3A : memref<!tpu.dma_semaphore, #tpu.memory_space<semaphore_mem>>)
      %dma_wait3A = arith.constant 0 : i32
      %dma_wait3A_563 = tpu.memref_slice %arg2[%dma_wait3A, %mul3A_2] : memref<100x8192xf32, #tpu.memory_space<hbm>> -> memref<100x256xf32, #tpu.memory_space<hbm>>
      %dma_wait3A_564 = arith.constant 0 : i32
      %dma_wait3A_565 = tpu.memref_slice %arg2[%dma_wait3A_564, %mul3A_2] : memref<100x8192xf32, #tpu.memory_space<hbm>> -> memref<100x256xf32, #tpu.memory_space<hbm>>
      tpu.wait_dma2 semaphore(%run_scoped3A : memref<!tpu.dma_semaphore, #tpu.memory_space<semaphore_mem>>) src(%dma_wait3A_565 : memref<100x256xf32, #tpu.memory_space<hbm>>) dst(%arg4 : memref<100x256xf32, #tpu.memory_space<vmem>>)
      tpu.yield
    }) : () -> ()
    %broadcast_in_dim3A = arith.constant 0x7F800000 : f32
    %broadcast_in_dim3A_3 = vector.broadcast %broadcast_in_dim3A : f32 to vector<16xf32>
    %broadcast_in_dim3A_4 = arith.constant 0 : i32
    %broadcast_in_dim3A_5 = vector.broadcast %broadcast_in_dim3A_4 : i32 to vector<16xi32>
    %scan3A = arith.constant 0 : i32
    %scan3A_6 = arith.constant 100 : i32
    %scan3A_7 = arith.addi %scan3A, %scan3A_6 : i32
    %scan3A_8 = arith.constant 1 : i32
    %scan3A_9:20 = scf.for %scan3A_560 = %scan3A to %scan3A_7 step %scan3A_8 iter_args(%scan3A_561 = %broadcast_in_dim3A_3, %scan3A_562 = %broadcast_in_dim3A_3, %scan3A_563 = %broadcast_in_dim3A_3, %scan3A_564 = %broadcast_in_dim3A_3, %scan3A_565 = %broadcast_in_dim3A_3, %scan3A_566 = %broadcast_in_dim3A_5, %scan3A_567 = %broadcast_in_dim3A_5, %scan3A_568 = %broadcast_in_dim3A_5, %scan3A_569 = %broadcast_in_dim3A_5, %scan3A_570 = %broadcast_in_dim3A_5, %scan3A_571 = %broadcast_in_dim3A_3, %scan3A_572 = %broadcast_in_dim3A_3, %scan3A_573 = %broadcast_in_dim3A_3, %scan3A_574 = %broadcast_in_dim3A_3, %scan3A_575 = %broadcast_in_dim3A_3, %scan3A_576 = %broadcast_in_dim3A_5, %scan3A_577 = %broadcast_in_dim3A_5, %scan3A_578 = %broadcast_in_dim3A_5, %scan3A_579 = %broadcast_in_dim3A_5, %scan3A_580 = %broadcast_in_dim3A_5) -> (vector<16xf32>, vector<16xf32>, vector<16xf32>, vector<16xf32>, vector<16xf32>, vector<16xi32>, vector<16xi32>, vector<16xi32>, vector<16xi32>, vector<16xi32>, vector<16xf32>, vector<16xf32>, vector<16xf32>, vector<16xf32>, vector<16xf32>, vector<16xi32>, vector<16xi32>, vector<16xi32>, vector<16xi32>, vector<16xi32>)  : i32 {
      %get3A = arith.index_cast %scan3A_560 : i32 to index
      %get3A_581 = arith.constant 0 : index
      %get3A_582 = tpu.vector_load %arg4[%get3A, %get3A_581] {strides = array<i32>} : memref<100x256xf32, #tpu.memory_space<vmem>>, vector<1x16xf32>,
      %get3A_583 = vector.shape_cast %get3A_582 : vector<1x16xf32> to vector<16xf32>
      %get3A_584 = arith.index_cast %scan3A_560 : i32 to index
      %get3A_585 = arith.constant 16 : index
      %get3A_586 = tpu.vector_load %arg4[%get3A_584, %get3A_585] {strides = array<i32>} : memref<100x256xf32, #tpu.memory_space<vmem>>, vector<1x16xf32>,
      %get3A_587 = vector.shape_cast %get3A_586 : vector<1x16xf32> to vector<16xf32>
      %broadcast_in_dim3A_588 = arith.constant 0 : i32
      %broadcast_in_dim3A_589 = vector.broadcast %broadcast_in_dim3A_588 : i32 to vector<16xi32>
      %add3A_590 = vector.broadcast %scan3A_560 : i32 to vector<16xi32>
      %add3A_591 = arith.addi %broadcast_in_dim3A_589, %add3A_590 : vector<16xi32>
      %lt3A = arith.cmpf olt, %get3A_583, %scan3A_565 : vector<16xf32>
      %select_n3A = arith.select %lt3A, %get3A_583, %scan3A_565 : vector<16xi1>, vector<16xf32>
      %select_n3A_592 = arith.select %lt3A, %add3A_591, %scan3A_570 : vector<16xi1>, vector<16xi32>
      %lt3A_593 = arith.cmpf olt, %select_n3A, %scan3A_564 : vector<16xf32>
      %select_n3A_594 = arith.select %lt3A_593, %select_n3A, %scan3A_564 : vector<16xi1>, vector<16xf32>
      %select_n3A_595 = arith.select %lt3A_593, %select_n3A_592, %scan3A_569 : vector<16xi1>, vector<16xi32>
      %select_n3A_596 = arith.select %lt3A_593, %scan3A_564, %select_n3A : vector<16xi1>, vector<16xf32>
      %select_n3A_597 = arith.select %lt3A_593, %scan3A_569, %select_n3A_592 : vector<16xi1>, vector<16xi32>
      %lt3A_598 = arith.cmpf olt, %select_n3A_594, %scan3A_563 : vector<16xf32>
      %select_n3A_599 = arith.select %lt3A_598, %select_n3A_594, %scan3A_563 : vector<16xi1>, vector<16xf32>
      %select_n3A_600 = arith.select %lt3A_598, %select_n3A_595, %scan3A_568 : vector<16xi1>, vector<16xi32>
      %select_n3A_601 = arith.select %lt3A_598, %scan3A_563, %select_n3A_594 : vector<16xi1>, vector<16xf32>
      %select_n3A_602 = arith.select %lt3A_598, %scan3A_568, %select_n3A_595 : vector<16xi1>, vector<16xi32>
      %lt3A_603 = arith.cmpf olt, %select_n3A_599, %scan3A_562 : vector<16xf32>
      %select_n3A_604 = arith.select %lt3A_603, %select_n3A_599, %scan3A_562 : vector<16xi1>, vector<16xf32>
      %select_n3A_605 = arith.select %lt3A_603, %select_n3A_600, %scan3A_567 : vector<16xi1>, vector<16xi32>
      %select_n3A_606 = arith.select %lt3A_603, %scan3A_562, %select_n3A_599 : vector<16xi1>, vector<16xf32>
      %select_n3A_607 = arith.select %lt3A_603, %scan3A_567, %select_n3A_600 : vector<16xi1>, vector<16xi32>
      %lt3A_608 = arith.cmpf olt, %select_n3A_604, %scan3A_561 : vector<16xf32>
      %select_n3A_609 = arith.select %lt3A_608, %select_n3A_604, %scan3A_561 : vector<16xi1>, vector<16xf32>
      %select_n3A_610 = arith.select %lt3A_608, %select_n3A_605, %scan3A_566 : vector<16xi1>, vector<16xi32>
      %select_n3A_611 = arith.select %lt3A_608, %scan3A_561, %select_n3A_604 : vector<16xi1>, vector<16xf32>
      %select_n3A_612 = arith.select %lt3A_608, %scan3A_566, %select_n3A_605 : vector<16xi1>, vector<16xi32>
      %lt3A_613 = arith.cmpf olt, %get3A_587, %scan3A_575 : vector<16xf32>
      %select_n3A_614 = arith.select %lt3A_613, %get3A_587, %scan3A_575 : vector<16xi1>, vector<16xf32>
      %select_n3A_615 = arith.select %lt3A_613, %add3A_591, %scan3A_580 : vector<16xi1>, vector<16xi32>
      %lt3A_616 = arith.cmpf olt, %select_n3A_614, %scan3A_574 : vector<16xf32>
      %select_n3A_617 = arith.select %lt3A_616, %select_n3A_614, %scan3A_574 : vector<16xi1>, vector<16xf32>
      %select_n3A_618 = arith.select %lt3A_616, %select_n3A_615, %scan3A_579 : vector<16xi1>, vector<16xi32>
      %select_n3A_619 = arith.select %lt3A_616, %scan3A_574, %select_n3A_614 : vector<16xi1>, vector<16xf32>
      %select_n3A_620 = arith.select %lt3A_616, %scan3A_579, %select_n3A_615 : vector<16xi1>, vector<16xi32>
      %lt3A_621 = arith.cmpf olt, %select_n3A_617, %scan3A_573 : vector<16xf32>
      %select_n3A_622 = arith.select %lt3A_621, %select_n3A_617, %scan3A_573 : vector<16xi1>, vector<16xf32>
      %select_n3A_623 = arith.select %lt3A_621, %select_n3A_618, %scan3A_578 : vector<16xi1>, vector<16xi32>
      %select_n3A_624 = arith.select %lt3A_621, %scan3A_573, %select_n3A_617 : vector<16xi1>, vector<16xf32>
      %select_n3A_625 = arith.select %lt3A_621, %scan3A_578, %select_n3A_618 : vector<16xi1>, vector<16xi32>
      %lt3A_626 = arith.cmpf olt, %select_n3A_622, %scan3A_572 : vector<16xf32>
      %select_n3A_627 = arith.select %lt3A_626, %select_n3A_622, %scan3A_572 : vector<16xi1>, vector<16xf32>
      %select_n3A_628 = arith.select %lt3A_626, %select_n3A_623, %scan3A_577 : vector<16xi1>, vector<16xi32>
      %select_n3A_629 = arith.select %lt3A_626, %scan3A_572, %select_n3A_622 : vector<16xi1>, vector<16xf32>
      %select_n3A_630 = arith.select %lt3A_626, %scan3A_577, %select_n3A_623 : vector<16xi1>, vector<16xi32>
      %lt3A_631 = arith.cmpf olt, %select_n3A_627, %scan3A_571 : vector<16xf32>
      %select_n3A_632 = arith.select %lt3A_631, %select_n3A_627, %scan3A_571 : vector<16xi1>, vector<16xf32>
      %select_n3A_633 = arith.select %lt3A_631, %select_n3A_628, %scan3A_576 : vector<16xi1>, vector<16xi32>
      %select_n3A_634 = arith.select %lt3A_631, %scan3A_571, %select_n3A_627 : vector<16xi1>, vector<16xf32>
      %select_n3A_635 = arith.select %lt3A_631, %scan3A_576, %select_n3A_628 : vector<16xi1>, vector<16xi32>
      scf.yield %select_n3A_609, %select_n3A_611, %select_n3A_606, %select_n3A_601, %select_n3A_596, %select_n3A_610, %select_n3A_612, %select_n3A_607, %select_n3A_602, %select_n3A_597, %select_n3A_632, %select_n3A_634, %select_n3A_629, %select_n3A_624, %select_n3A_619, %select_n3A_633, %select_n3A_635, %select_n3A_630, %select_n3A_625, %select_n3A_620 : vector<16xf32>, vector<16xf32>, vector<16xf32>, vector<16xf32>, vector<16xf32>, vector<16xi32>, vector<16xi32>, vector<16xi32>, vector<16xi32>, vector<16xi32>, vector<16xf32>, vector<16xf32>, vector<16xf32>, vector<16xf32>, vector<16xf32>, vector<16xi32>, vector<16xi32>, vector<16xi32>, vector<16xi32>, vector<16xi32>
    }
    %scan3A_10 = arith.constant 100 : i32
    %swap3A = arith.constant 0 : i32
    %swap3A_11 = arith.index_cast %swap3A : i32 to index
    %swap3A_12 = arith.constant 0 : index
    %swap3A_13 = tpu.vector_load %arg5[%swap3A_11, %swap3A_12] {strides = array<i32>} : memref<5x256xi32, #tpu.memory_space<vmem>>, vector<1x16xi32>,
    %swap3A_14 = vector.shape_cast %swap3A_13 : vector<1x16xi32> to vector<16xi32>
    %swap3A_15 = vector.shape_cast %scan3A_9#5 : vector<16xi32> to vector<1x16xi32>
    tpu.vector_store %arg5[%swap3A_11, %swap3A_12], %swap3A_15 {strides = array<i32>} : memref<5x256xi32, #tpu.memory_space<vmem>>, vector<1x16xi32>,
    %swap3A_16 = arith.constant 0 : i32
    %swap3A_17 = arith.index_cast %swap3A_16 : i32 to index
    %swap3A_18 = arith.constant 16 : index
    %swap3A_19 = tpu.vector_load %arg5[%swap3A_17, %swap3A_18] {strides = array<i32>} : memref<5x256xi32, #tpu.memory_space<vmem>>, vector<1x16xi32>,
    %swap3A_20 = vector.shape_cast %swap3A_19 : vector<1x16xi32> to vector<16xi32>
    %swap3A_21 = vector.shape_cast %scan3A_9#15 : vector<16xi32> to vector<1x16xi32>
    tpu.vector_store %arg5[%swap3A_17, %swap3A_18], %swap3A_21 {strides = array<i32>} : memref<5x256xi32, #tpu.memory_space<vmem>>, vector<1x16xi32>,
    %swap3A_22 = arith.constant 1 : i32
    %swap3A_23 = arith.index_cast %swap3A_22 : i32 to index
    %swap3A_24 = arith.constant 0 : index
    %swap3A_25 = tpu.vector_load %arg5[%swap3A_23, %swap3A_24] {strides = array<i32>} : memref<5x256xi32, #tpu.memory_space<vmem>>, vector<1x16xi32>,
    %swap3A_26 = vector.shape_cast %swap3A_25 : vector<1x16xi32> to vector<16xi32>
    %swap3A_27 = vector.shape_cast %scan3A_9#6 : vector<16xi32> to vector<1x16xi32>
    tpu.vector_store %arg5[%swap3A_23, %swap3A_24], %swap3A_27 {strides = array<i32>} : memref<5x256xi32, #tpu.memory_space<vmem>>, vector<1x16xi32>,
    %swap3A_28 = arith.constant 1 : i32
    %swap3A_29 = arith.index_cast %swap3A_28 : i32 to index
    %swap3A_30 = arith.constant 16 : index
    %swap3A_31 = tpu.vector_load %arg5[%swap3A_29, %swap3A_30] {strides = array<i32>} : memref<5x256xi32, #tpu.memory_space<vmem>>, vector<1x16xi32>,
    %swap3A_32 = vector.shape_cast %swap3A_31 : vector<1x16xi32> to vector<16xi32>
    %swap3A_33 = vector.shape_cast %scan3A_9#16 : vector<16xi32> to vector<1x16xi32>
    tpu.vector_store %arg5[%swap3A_29, %swap3A_30], %swap3A_33 {strides = array<i32>} : memref<5x256xi32, #tpu.memory_space<vmem>>, vector<1x16xi32>,
    %swap3A_34 = arith.constant 2 : i32
    %swap3A_35 = arith.index_cast %swap3A_34 : i32 to index
    %swap3A_36 = arith.constant 0 : index
    %swap3A_37 = tpu.vector_load %arg5[%swap3A_35, %swap3A_36] {strides = array<i32>} : memref<5x256xi32, #tpu.memory_space<vmem>>, vector<1x16xi32>,
    %swap3A_38 = vector.shape_cast %swap3A_37 : vector<1x16xi32> to vector<16xi32>
    %swap3A_39 = vector.shape_cast %scan3A_9#7 : vector<16xi32> to vector<1x16xi32>
    tpu.vector_store %arg5[%swap3A_35, %swap3A_36], %swap3A_39 {strides = array<i32>} : memref<5x256xi32, #tpu.memory_space<vmem>>, vector<1x16xi32>,
    %swap3A_40 = arith.constant 2 : i32
    %swap3A_41 = arith.index_cast %swap3A_40 : i32 to index
    %swap3A_42 = arith.constant 16 : index
    %swap3A_43 = tpu.vector_load %arg5[%swap3A_41, %swap3A_42] {strides = array<i32>} : memref<5x256xi32, #tpu.memory_space<vmem>>, vector<1x16xi32>,
    %swap3A_44 = vector.shape_cast %swap3A_43 : vector<1x16xi32> to vector<16xi32>
    %swap3A_45 = vector.shape_cast %scan3A_9#17 : vector<16xi32> to vector<1x16xi32>
    tpu.vector_store %arg5[%swap3A_41, %swap3A_42], %swap3A_45 {strides = array<i32>} : memref<5x256xi32, #tpu.memory_space<vmem>>, vector<1x16xi32>,
    %swap3A_46 = arith.constant 3 : i32
    %swap3A_47 = arith.index_cast %swap3A_46 : i32 to index
    %swap3A_48 = arith.constant 0 : index
    %swap3A_49 = tpu.vector_load %arg5[%swap3A_47, %swap3A_48] {strides = array<i32>} : memref<5x256xi32, #tpu.memory_space<vmem>>, vector<1x16xi32>,
    %swap3A_50 = vector.shape_cast %swap3A_49 : vector<1x16xi32> to vector<16xi32>
    %swap3A_51 = vector.shape_cast %scan3A_9#8 : vector<16xi32> to vector<1x16xi32>
    tpu.vector_store %arg5[%swap3A_47, %swap3A_48], %swap3A_51 {strides = array<i32>} : memref<5x256xi32, #tpu.memory_space<vmem>>, vector<1x16xi32>,
    %swap3A_52 = arith.constant 3 : i32
    %swap3A_53 = arith.index_cast %swap3A_52 : i32 to index
    %swap3A_54 = arith.constant 16 : index
    %swap3A_55 = tpu.vector_load %arg5[%swap3A_53, %swap3A_54] {strides = array<i32>} : memref<5x256xi32, #tpu.memory_space<vmem>>, vector<1x16xi32>,
    %swap3A_56 = vector.shape_cast %swap3A_55 : vector<1x16xi32> to vector<16xi32>
    %swap3A_57 = vector.shape_cast %scan3A_9#18 : vector<16xi32> to vector<1x16xi32>
    tpu.vector_store %arg5[%swap3A_53, %swap3A_54], %swap3A_57 {strides = array<i32>} : memref<5x256xi32, #tpu.memory_space<vmem>>, vector<1x16xi32>,
    %swap3A_58 = arith.constant 4 : i32
    %swap3A_59 = arith.index_cast %swap3A_58 : i32 to index
    %swap3A_60 = arith.constant 0 : index
    %swap3A_61 = tpu.vector_load %arg5[%swap3A_59, %swap3A_60] {strides = array<i32>} : memref<5x256xi32, #tpu.memory_space<vmem>>, vector<1x16xi32>,
    %swap3A_62 = vector.shape_cast %swap3A_61 : vector<1x16xi32> to vector<16xi32>
    %swap3A_63 = vector.shape_cast %scan3A_9#9 : vector<16xi32> to vector<1x16xi32>
    tpu.vector_store %arg5[%swap3A_59, %swap3A_60], %swap3A_63 {strides = array<i32>} : memref<5x256xi32, #tpu.memory_space<vmem>>, vector<1x16xi32>,
    %swap3A_64 = arith.constant 4 : i32
    %swap3A_65 = arith.index_cast %swap3A_64 : i32 to index
    %swap3A_66 = arith.constant 16 : index
    %swap3A_67 = tpu.vector_load %arg5[%swap3A_65, %swap3A_66] {strides = array<i32>} : memref<5x256xi32, #tpu.memory_space<vmem>>, vector<1x16xi32>,
    %swap3A_68 = vector.shape_cast %swap3A_67 : vector<1x16xi32> to vector<16xi32>
    %swap3A_69 = vector.shape_cast %scan3A_9#19 : vector<16xi32> to vector<1x16xi32>
    tpu.vector_store %arg5[%swap3A_65, %swap3A_66], %swap3A_69 {strides = array<i32>} : memref<5x256xi32, #tpu.memory_space<vmem>>, vector<1x16xi32>,
    %broadcast_in_dim3A_70 = arith.constant 0x7F800000 : f32
    %broadcast_in_dim3A_71 = vector.broadcast %broadcast_in_dim3A_70 : f32 to vector<16xf32>
    %broadcast_in_dim3A_72 = arith.constant 0 : i32
    %broadcast_in_dim3A_73 = vector.broadcast %broadcast_in_dim3A_72 : i32 to vector<16xi32>
    %scan3A_74 = arith.constant 0 : i32
    %scan3A_75 = arith.constant 100 : i32
    %scan3A_76 = arith.addi %scan3A_74, %scan3A_75 : i32
    %scan3A_77 = arith.constant 1 : i32
    %scan3A_78:20 = scf.for %scan3A_560 = %scan3A_74 to %scan3A_76 step %scan3A_77 iter_args(%scan3A_561 = %broadcast_in_dim3A_71, %scan3A_562 = %broadcast_in_dim3A_71, %scan3A_563 = %broadcast_in_dim3A_71, %scan3A_564 = %broadcast_in_dim3A_71, %scan3A_565 = %broadcast_in_dim3A_71, %scan3A_566 = %broadcast_in_dim3A_73, %scan3A_567 = %broadcast_in_dim3A_73, %scan3A_568 = %broadcast_in_dim3A_73, %scan3A_569 = %broadcast_in_dim3A_73, %scan3A_570 = %broadcast_in_dim3A_73, %scan3A_571 = %broadcast_in_dim3A_71, %scan3A_572 = %broadcast_in_dim3A_71, %scan3A_573 = %broadcast_in_dim3A_71, %scan3A_574 = %broadcast_in_dim3A_71, %scan3A_575 = %broadcast_in_dim3A_71, %scan3A_576 = %broadcast_in_dim3A_73, %scan3A_577 = %broadcast_in_dim3A_73, %scan3A_578 = %broadcast_in_dim3A_73, %scan3A_579 = %broadcast_in_dim3A_73, %scan3A_580 = %broadcast_in_dim3A_73) -> (vector<16xf32>, vector<16xf32>, vector<16xf32>, vector<16xf32>, vector<16xf32>, vector<16xi32>, vector<16xi32>, vector<16xi32>, vector<16xi32>, vector<16xi32>, vector<16xf32>, vector<16xf32>, vector<16xf32>, vector<16xf32>, vector<16xf32>, vector<16xi32>, vector<16xi32>, vector<16xi32>, vector<16xi32>, vector<16xi32>)  : i32 {
      %get3A = arith.index_cast %scan3A_560 : i32 to index
      %get3A_581 = arith.constant 32 : index
      %get3A_582 = tpu.vector_load %arg4[%get3A, %get3A_581] {strides = array<i32>} : memref<100x256xf32, #tpu.memory_space<vmem>>, vector<1x16xf32>,
      %get3A_583 = vector.shape_cast %get3A_582 : vector<1x16xf32> to vector<16xf32>
      %get3A_584 = arith.index_cast %scan3A_560 : i32 to index
      %get3A_585 = arith.constant 48 : index
      %get3A_586 = tpu.vector_load %arg4[%get3A_584, %get3A_585] {strides = array<i32>} : memref<100x256xf32, #tpu.memory_space<vmem>>, vector<1x16xf32>,
      %get3A_587 = vector.shape_cast %get3A_586 : vector<1x16xf32> to vector<16xf32>
      %broadcast_in_dim3A_588 = arith.constant 0 : i32
      %broadcast_in_dim3A_589 = vector.broadcast %broadcast_in_dim3A_588 : i32 to vector<16xi32>
      %add3A_590 = vector.broadcast %scan3A_560 : i32 to vector<16xi32>
      %add3A_591 = arith.addi %broadcast_in_dim3A_589, %add3A_590 : vector<16xi32>
      %lt3A = arith.cmpf olt, %get3A_583, %scan3A_565 : vector<16xf32>
      %select_n3A = arith.select %lt3A, %get3A_583, %scan3A_565 : vector<16xi1>, vector<16xf32>
      %select_n3A_592 = arith.select %lt3A, %add3A_591, %scan3A_570 : vector<16xi1>, vector<16xi32>
      %lt3A_593 = arith.cmpf olt, %select_n3A, %scan3A_564 : vector<16xf32>
      %select_n3A_594 = arith.select %lt3A_593, %select_n3A, %scan3A_564 : vector<16xi1>, vector<16xf32>
      %select_n3A_595 = arith.select %lt3A_593, %select_n3A_592, %scan3A_569 : vector<16xi1>, vector<16xi32>
      %select_n3A_596 = arith.select %lt3A_593, %scan3A_564, %select_n3A : vector<16xi1>, vector<16xf32>
      %select_n3A_597 = arith.select %lt3A_593, %scan3A_569, %select_n3A_592 : vector<16xi1>, vector<16xi32>
      %lt3A_598 = arith.cmpf olt, %select_n3A_594, %scan3A_563 : vector<16xf32>
      %select_n3A_599 = arith.select %lt3A_598, %select_n3A_594, %scan3A_563 : vector<16xi1>, vector<16xf32>
      %select_n3A_600 = arith.select %lt3A_598, %select_n3A_595, %scan3A_568 : vector<16xi1>, vector<16xi32>
      %select_n3A_601 = arith.select %lt3A_598, %scan3A_563, %select_n3A_594 : vector<16xi1>, vector<16xf32>
      %select_n3A_602 = arith.select %lt3A_598, %scan3A_568, %select_n3A_595 : vector<16xi1>, vector<16xi32>
      %lt3A_603 = arith.cmpf olt, %select_n3A_599, %scan3A_562 : vector<16xf32>
      %select_n3A_604 = arith.select %lt3A_603, %select_n3A_599, %scan3A_562 : vector<16xi1>, vector<16xf32>
      %select_n3A_605 = arith.select %lt3A_603, %select_n3A_600, %scan3A_567 : vector<16xi1>, vector<16xi32>
      %select_n3A_606 = arith.select %lt3A_603, %scan3A_562, %select_n3A_599 : vector<16xi1>, vector<16xf32>
      %select_n3A_607 = arith.select %lt3A_603, %scan3A_567, %select_n3A_600 : vector<16xi1>, vector<16xi32>
      %lt3A_608 = arith.cmpf olt, %select_n3A_604, %scan3A_561 : vector<16xf32>
      %select_n3A_609 = arith.select %lt3A_608, %select_n3A_604, %scan3A_561 : vector<16xi1>, vector<16xf32>
      %select_n3A_610 = arith.select %lt3A_608, %select_n3A_605, %scan3A_566 : vector<16xi1>, vector<16xi32>
      %select_n3A_611 = arith.select %lt3A_608, %scan3A_561, %select_n3A_604 : vector<16xi1>, vector<16xf32>
      %select_n3A_612 = arith.select %lt3A_608, %scan3A_566, %select_n3A_605 : vector<16xi1>, vector<16xi32>
      %lt3A_613 = arith.cmpf olt, %get3A_587, %scan3A_575 : vector<16xf32>
      %select_n3A_614 = arith.select %lt3A_613, %get3A_587, %scan3A_575 : vector<16xi1>, vector<16xf32>
      %select_n3A_615 = arith.select %lt3A_613, %add3A_591, %scan3A_580 : vector<16xi1>, vector<16xi32>
      %lt3A_616 = arith.cmpf olt, %select_n3A_614, %scan3A_574 : vector<16xf32>
      %select_n3A_617 = arith.select %lt3A_616, %select_n3A_614, %scan3A_574 : vector<16xi1>, vector<16xf32>
      %select_n3A_618 = arith.select %lt3A_616, %select_n3A_615, %scan3A_579 : vector<16xi1>, vector<16xi32>
      %select_n3A_619 = arith.select %lt3A_616, %scan3A_574, %select_n3A_614 : vector<16xi1>, vector<16xf32>
      %select_n3A_620 = arith.select %lt3A_616, %scan3A_579, %select_n3A_615 : vector<16xi1>, vector<16xi32>
      %lt3A_621 = arith.cmpf olt, %select_n3A_617, %scan3A_573 : vector<16xf32>
      %select_n3A_622 = arith.select %lt3A_621, %select_n3A_617, %scan3A_573 : vector<16xi1>, vector<16xf32>
      %select_n3A_623 = arith.select %lt3A_621, %select_n3A_618, %scan3A_578 : vector<16xi1>, vector<16xi32>
      %select_n3A_624 = arith.select %lt3A_621, %scan3A_573, %select_n3A_617 : vector<16xi1>, vector<16xf32>
      %select_n3A_625 = arith.select %lt3A_621, %scan3A_578, %select_n3A_618 : vector<16xi1>, vector<16xi32>
      %lt3A_626 = arith.cmpf olt, %select_n3A_622, %scan3A_572 : vector<16xf32>
      %select_n3A_627 = arith.select %lt3A_626, %select_n3A_622, %scan3A_572 : vector<16xi1>, vector<16xf32>
      %select_n3A_628 = arith.select %lt3A_626, %select_n3A_623, %scan3A_577 : vector<16xi1>, vector<16xi32>
      %select_n3A_629 = arith.select %lt3A_626, %scan3A_572, %select_n3A_622 : vector<16xi1>, vector<16xf32>
      %select_n3A_630 = arith.select %lt3A_626, %scan3A_577, %select_n3A_623 : vector<16xi1>, vector<16xi32>
      %lt3A_631 = arith.cmpf olt, %select_n3A_627, %scan3A_571 : vector<16xf32>
      %select_n3A_632 = arith.select %lt3A_631, %select_n3A_627, %scan3A_571 : vector<16xi1>, vector<16xf32>
      %select_n3A_633 = arith.select %lt3A_631, %select_n3A_628, %scan3A_576 : vector<16xi1>, vector<16xi32>
      %select_n3A_634 = arith.select %lt3A_631, %scan3A_571, %select_n3A_627 : vector<16xi1>, vector<16xf32>
      %select_n3A_635 = arith.select %lt3A_631, %scan3A_576, %select_n3A_628 : vector<16xi1>, vector<16xi32>
      scf.yield %select_n3A_609, %select_n3A_611, %select_n3A_606, %select_n3A_601, %select_n3A_596, %select_n3A_610, %select_n3A_612, %select_n3A_607, %select_n3A_602, %select_n3A_597, %select_n3A_632, %select_n3A_634, %select_n3A_629, %select_n3A_624, %select_n3A_619, %select_n3A_633, %select_n3A_635, %select_n3A_630, %select_n3A_625, %select_n3A_620 : vector<16xf32>, vector<16xf32>, vector<16xf32>, vector<16xf32>, vector<16xf32>, vector<16xi32>, vector<16xi32>, vector<16xi32>, vector<16xi32>, vector<16xi32>, vector<16xf32>, vector<16xf32>, vector<16xf32>, vector<16xf32>, vector<16xf32>, vector<16xi32>, vector<16xi32>, vector<16xi32>, vector<16xi32>, vector<16xi32>
    }
    %scan3A_79 = arith.constant 100 : i32
    %swap3A_80 = arith.constant 0 : i32
    %swap3A_81 = arith.index_cast %swap3A_80 : i32 to index
    %swap3A_82 = arith.constant 32 : index
    %swap3A_83 = tpu.vector_load %arg5[%swap3A_81, %swap3A_82] {strides = array<i32>} : memref<5x256xi32, #tpu.memory_space<vmem>>, vector<1x16xi32>,
    %swap3A_84 = vector.shape_cast %swap3A_83 : vector<1x16xi32> to vector<16xi32>
    %swap3A_85 = vector.shape_cast %scan3A_78#5 : vector<16xi32> to vector<1x16xi32>
    tpu.vector_store %arg5[%swap3A_81, %swap3A_82], %swap3A_85 {strides = array<i32>} : memref<5x256xi32, #tpu.memory_space<vmem>>, vector<1x16xi32>,
    %swap3A_86 = arith.constant 0 : i32
    %swap3A_87 = arith.index_cast %swap3A_86 : i32 to index
    %swap3A_88 = arith.constant 48 : index
    %swap3A_89 = tpu.vector_load %arg5[%swap3A_87, %swap3A_88] {strides = array<i32>} : memref<5x256xi32, #tpu.memory_space<vmem>>, vector<1x16xi32>,
    %swap3A_90 = vector.shape_cast %swap3A_89 : vector<1x16xi32> to vector<16xi32>
    %swap3A_91 = vector.shape_cast %scan3A_78#15 : vector<16xi32> to vector<1x16xi32>
    tpu.vector_store %arg5[%swap3A_87, %swap3A_88], %swap3A_91 {strides = array<i32>} : memref<5x256xi32, #tpu.memory_space<vmem>>, vector<1x16xi32>,
    %swap3A_92 = arith.constant 1 : i32
    %swap3A_93 = arith.index_cast %swap3A_92 : i32 to index
    %swap3A_94 = arith.constant 32 : index
    %swap3A_95 = tpu.vector_load %arg5[%swap3A_93, %swap3A_94] {strides = array<i32>} : memref<5x256xi32, #tpu.memory_space<vmem>>, vector<1x16xi32>,
    %swap3A_96 = vector.shape_cast %swap3A_95 : vector<1x16xi32> to vector<16xi32>
    %swap3A_97 = vector.shape_cast %scan3A_78#6 : vector<16xi32> to vector<1x16xi32>
    tpu.vector_store %arg5[%swap3A_93, %swap3A_94], %swap3A_97 {strides = array<i32>} : memref<5x256xi32, #tpu.memory_space<vmem>>, vector<1x16xi32>,
    %swap3A_98 = arith.constant 1 : i32
    %swap3A_99 = arith.index_cast %swap3A_98 : i32 to index
    %swap3A_100 = arith.constant 48 : index
    %swap3A_101 = tpu.vector_load %arg5[%swap3A_99, %swap3A_100] {strides = array<i32>} : memref<5x256xi32, #tpu.memory_space<vmem>>, vector<1x16xi32>,
    %swap3A_102 = vector.shape_cast %swap3A_101 : vector<1x16xi32> to vector<16xi32>
    %swap3A_103 = vector.shape_cast %scan3A_78#16 : vector<16xi32> to vector<1x16xi32>
    tpu.vector_store %arg5[%swap3A_99, %swap3A_100], %swap3A_103 {strides = array<i32>} : memref<5x256xi32, #tpu.memory_space<vmem>>, vector<1x16xi32>,
    %swap3A_104 = arith.constant 2 : i32
    %swap3A_105 = arith.index_cast %swap3A_104 : i32 to index
    %swap3A_106 = arith.constant 32 : index
    %swap3A_107 = tpu.vector_load %arg5[%swap3A_105, %swap3A_106] {strides = array<i32>} : memref<5x256xi32, #tpu.memory_space<vmem>>, vector<1x16xi32>,
    %swap3A_108 = vector.shape_cast %swap3A_107 : vector<1x16xi32> to vector<16xi32>
    %swap3A_109 = vector.shape_cast %scan3A_78#7 : vector<16xi32> to vector<1x16xi32>
    tpu.vector_store %arg5[%swap3A_105, %swap3A_106], %swap3A_109 {strides = array<i32>} : memref<5x256xi32, #tpu.memory_space<vmem>>, vector<1x16xi32>,
    %swap3A_110 = arith.constant 2 : i32
    %swap3A_111 = arith.index_cast %swap3A_110 : i32 to index
    %swap3A_112 = arith.constant 48 : index
    %swap3A_113 = tpu.vector_load %arg5[%swap3A_111, %swap3A_112] {strides = array<i32>} : memref<5x256xi32, #tpu.memory_space<vmem>>, vector<1x16xi32>,
    %swap3A_114 = vector.shape_cast %swap3A_113 : vector<1x16xi32> to vector<16xi32>
    %swap3A_115 = vector.shape_cast %scan3A_78#17 : vector<16xi32> to vector<1x16xi32>
    tpu.vector_store %arg5[%swap3A_111, %swap3A_112], %swap3A_115 {strides = array<i32>} : memref<5x256xi32, #tpu.memory_space<vmem>>, vector<1x16xi32>,
    %swap3A_116 = arith.constant 3 : i32
    %swap3A_117 = arith.index_cast %swap3A_116 : i32 to index
    %swap3A_118 = arith.constant 32 : index
    %swap3A_119 = tpu.vector_load %arg5[%swap3A_117, %swap3A_118] {strides = array<i32>} : memref<5x256xi32, #tpu.memory_space<vmem>>, vector<1x16xi32>,
    %swap3A_120 = vector.shape_cast %swap3A_119 : vector<1x16xi32> to vector<16xi32>
    %swap3A_121 = vector.shape_cast %scan3A_78#8 : vector<16xi32> to vector<1x16xi32>
    tpu.vector_store %arg5[%swap3A_117, %swap3A_118], %swap3A_121 {strides = array<i32>} : memref<5x256xi32, #tpu.memory_space<vmem>>, vector<1x16xi32>,
    %swap3A_122 = arith.constant 3 : i32
    %swap3A_123 = arith.index_cast %swap3A_122 : i32 to index
    %swap3A_124 = arith.constant 48 : index
    %swap3A_125 = tpu.vector_load %arg5[%swap3A_123, %swap3A_124] {strides = array<i32>} : memref<5x256xi32, #tpu.memory_space<vmem>>, vector<1x16xi32>,
    %swap3A_126 = vector.shape_cast %swap3A_125 : vector<1x16xi32> to vector<16xi32>
    %swap3A_127 = vector.shape_cast %scan3A_78#18 : vector<16xi32> to vector<1x16xi32>
    tpu.vector_store %arg5[%swap3A_123, %swap3A_124], %swap3A_127 {strides = array<i32>} : memref<5x256xi32, #tpu.memory_space<vmem>>, vector<1x16xi32>,
    %swap3A_128 = arith.constant 4 : i32
    %swap3A_129 = arith.index_cast %swap3A_128 : i32 to index
    %swap3A_130 = arith.constant 32 : index
    %swap3A_131 = tpu.vector_load %arg5[%swap3A_129, %swap3A_130] {strides = array<i32>} : memref<5x256xi32, #tpu.memory_space<vmem>>, vector<1x16xi32>,
    %swap3A_132 = vector.shape_cast %swap3A_131 : vector<1x16xi32> to vector<16xi32>
    %swap3A_133 = vector.shape_cast %scan3A_78#9 : vector<16xi32> to vector<1x16xi32>
    tpu.vector_store %arg5[%swap3A_129, %swap3A_130], %swap3A_133 {strides = array<i32>} : memref<5x256xi32, #tpu.memory_space<vmem>>, vector<1x16xi32>,
    %swap3A_134 = arith.constant 4 : i32
    %swap3A_135 = arith.index_cast %swap3A_134 : i32 to index
    %swap3A_136 = arith.constant 48 : index
    %swap3A_137 = tpu.vector_load %arg5[%swap3A_135, %swap3A_136] {strides = array<i32>} : memref<5x256xi32, #tpu.memory_space<vmem>>, vector<1x16xi32>,
    %swap3A_138 = vector.shape_cast %swap3A_137 : vector<1x16xi32> to vector<16xi32>
    %swap3A_139 = vector.shape_cast %scan3A_78#19 : vector<16xi32> to vector<1x16xi32>
    tpu.vector_store %arg5[%swap3A_135, %swap3A_136], %swap3A_139 {strides = array<i32>} : memref<5x256xi32, #tpu.memory_space<vmem>>, vector<1x16xi32>,
    %broadcast_in_dim3A_140 = arith.constant 0x7F800000 : f32
    %broadcast_in_dim3A_141 = vector.broadcast %broadcast_in_dim3A_140 : f32 to vector<16xf32>
    %broadcast_in_dim3A_142 = arith.constant 0 : i32
    %broadcast_in_dim3A_143 = vector.broadcast %broadcast_in_dim3A_142 : i32 to vector<16xi32>
    %scan3A_144 = arith.constant 0 : i32
    %scan3A_145 = arith.constant 100 : i32
    %scan3A_146 = arith.addi %scan3A_144, %scan3A_145 : i32
    %scan3A_147 = arith.constant 1 : i32
    %scan3A_148:20 = scf.for %scan3A_560 = %scan3A_144 to %scan3A_146 step %scan3A_147 iter_args(%scan3A_561 = %broadcast_in_dim3A_141, %scan3A_562 = %broadcast_in_dim3A_141, %scan3A_563 = %broadcast_in_dim3A_141, %scan3A_564 = %broadcast_in_dim3A_141, %scan3A_565 = %broadcast_in_dim3A_141, %scan3A_566 = %broadcast_in_dim3A_143, %scan3A_567 = %broadcast_in_dim3A_143, %scan3A_568 = %broadcast_in_dim3A_143, %scan3A_569 = %broadcast_in_dim3A_143, %scan3A_570 = %broadcast_in_dim3A_143, %scan3A_571 = %broadcast_in_dim3A_141, %scan3A_572 = %broadcast_in_dim3A_141, %scan3A_573 = %broadcast_in_dim3A_141, %scan3A_574 = %broadcast_in_dim3A_141, %scan3A_575 = %broadcast_in_dim3A_141, %scan3A_576 = %broadcast_in_dim3A_143, %scan3A_577 = %broadcast_in_dim3A_143, %scan3A_578 = %broadcast_in_dim3A_143, %scan3A_579 = %broadcast_in_dim3A_143, %scan3A_580 = %broadcast_in_dim3A_143) -> (vector<16xf32>, vector<16xf32>, vector<16xf32>, vector<16xf32>, vector<16xf32>, vector<16xi32>, vector<16xi32>, vector<16xi32>, vector<16xi32>, vector<16xi32>, vector<16xf32>, vector<16xf32>, vector<16xf32>, vector<16xf32>, vector<16xf32>, vector<16xi32>, vector<16xi32>, vector<16xi32>, vector<16xi32>, vector<16xi32>)  : i32 {
      %get3A = arith.index_cast %scan3A_560 : i32 to index
      %get3A_581 = arith.constant 64 : index
      %get3A_582 = tpu.vector_load %arg4[%get3A, %get3A_581] {strides = array<i32>} : memref<100x256xf32, #tpu.memory_space<vmem>>, vector<1x16xf32>,
      %get3A_583 = vector.shape_cast %get3A_582 : vector<1x16xf32> to vector<16xf32>
      %get3A_584 = arith.index_cast %scan3A_560 : i32 to index
      %get3A_585 = arith.constant 80 : index
      %get3A_586 = tpu.vector_load %arg4[%get3A_584, %get3A_585] {strides = array<i32>} : memref<100x256xf32, #tpu.memory_space<vmem>>, vector<1x16xf32>,
      %get3A_587 = vector.shape_cast %get3A_586 : vector<1x16xf32> to vector<16xf32>
      %broadcast_in_dim3A_588 = arith.constant 0 : i32
      %broadcast_in_dim3A_589 = vector.broadcast %broadcast_in_dim3A_588 : i32 to vector<16xi32>
      %add3A_590 = vector.broadcast %scan3A_560 : i32 to vector<16xi32>
      %add3A_591 = arith.addi %broadcast_in_dim3A_589, %add3A_590 : vector<16xi32>
      %lt3A = arith.cmpf olt, %get3A_583, %scan3A_565 : vector<16xf32>
      %select_n3A = arith.select %lt3A, %get3A_583, %scan3A_565 : vector<16xi1>, vector<16xf32>
      %select_n3A_592 = arith.select %lt3A, %add3A_591, %scan3A_570 : vector<16xi1>, vector<16xi32>
      %lt3A_593 = arith.cmpf olt, %select_n3A, %scan3A_564 : vector<16xf32>
      %select_n3A_594 = arith.select %lt3A_593, %select_n3A, %scan3A_564 : vector<16xi1>, vector<16xf32>
      %select_n3A_595 = arith.select %lt3A_593, %select_n3A_592, %scan3A_569 : vector<16xi1>, vector<16xi32>
      %select_n3A_596 = arith.select %lt3A_593, %scan3A_564, %select_n3A : vector<16xi1>, vector<16xf32>
      %select_n3A_597 = arith.select %lt3A_593, %scan3A_569, %select_n3A_592 : vector<16xi1>, vector<16xi32>
      %lt3A_598 = arith.cmpf olt, %select_n3A_594, %scan3A_563 : vector<16xf32>
      %select_n3A_599 = arith.select %lt3A_598, %select_n3A_594, %scan3A_563 : vector<16xi1>, vector<16xf32>
      %select_n3A_600 = arith.select %lt3A_598, %select_n3A_595, %scan3A_568 : vector<16xi1>, vector<16xi32>
      %select_n3A_601 = arith.select %lt3A_598, %scan3A_563, %select_n3A_594 : vector<16xi1>, vector<16xf32>
      %select_n3A_602 = arith.select %lt3A_598, %scan3A_568, %select_n3A_595 : vector<16xi1>, vector<16xi32>
      %lt3A_603 = arith.cmpf olt, %select_n3A_599, %scan3A_562 : vector<16xf32>
      %select_n3A_604 = arith.select %lt3A_603, %select_n3A_599, %scan3A_562 : vector<16xi1>, vector<16xf32>
      %select_n3A_605 = arith.select %lt3A_603, %select_n3A_600, %scan3A_567 : vector<16xi1>, vector<16xi32>
      %select_n3A_606 = arith.select %lt3A_603, %scan3A_562, %select_n3A_599 : vector<16xi1>, vector<16xf32>
      %select_n3A_607 = arith.select %lt3A_603, %scan3A_567, %select_n3A_600 : vector<16xi1>, vector<16xi32>
      %lt3A_608 = arith.cmpf olt, %select_n3A_604, %scan3A_561 : vector<16xf32>
      %select_n3A_609 = arith.select %lt3A_608, %select_n3A_604, %scan3A_561 : vector<16xi1>, vector<16xf32>
      %select_n3A_610 = arith.select %lt3A_608, %select_n3A_605, %scan3A_566 : vector<16xi1>, vector<16xi32>
      %select_n3A_611 = arith.select %lt3A_608, %scan3A_561, %select_n3A_604 : vector<16xi1>, vector<16xf32>
      %select_n3A_612 = arith.select %lt3A_608, %scan3A_566, %select_n3A_605 : vector<16xi1>, vector<16xi32>
      %lt3A_613 = arith.cmpf olt, %get3A_587, %scan3A_575 : vector<16xf32>
      %select_n3A_614 = arith.select %lt3A_613, %get3A_587, %scan3A_575 : vector<16xi1>, vector<16xf32>
      %select_n3A_615 = arith.select %lt3A_613, %add3A_591, %scan3A_580 : vector<16xi1>, vector<16xi32>
      %lt3A_616 = arith.cmpf olt, %select_n3A_614, %scan3A_574 : vector<16xf32>
      %select_n3A_617 = arith.select %lt3A_616, %select_n3A_614, %scan3A_574 : vector<16xi1>, vector<16xf32>
      %select_n3A_618 = arith.select %lt3A_616, %select_n3A_615, %scan3A_579 : vector<16xi1>, vector<16xi32>
      %select_n3A_619 = arith.select %lt3A_616, %scan3A_574, %select_n3A_614 : vector<16xi1>, vector<16xf32>
      %select_n3A_620 = arith.select %lt3A_616, %scan3A_579, %select_n3A_615 : vector<16xi1>, vector<16xi32>
      %lt3A_621 = arith.cmpf olt, %select_n3A_617, %scan3A_573 : vector<16xf32>
      %select_n3A_622 = arith.select %lt3A_621, %select_n3A_617, %scan3A_573 : vector<16xi1>, vector<16xf32>
      %select_n3A_623 = arith.select %lt3A_621, %select_n3A_618, %scan3A_578 : vector<16xi1>, vector<16xi32>
      %select_n3A_624 = arith.select %lt3A_621, %scan3A_573, %select_n3A_617 : vector<16xi1>, vector<16xf32>
      %select_n3A_625 = arith.select %lt3A_621, %scan3A_578, %select_n3A_618 : vector<16xi1>, vector<16xi32>
      %lt3A_626 = arith.cmpf olt, %select_n3A_622, %scan3A_572 : vector<16xf32>
      %select_n3A_627 = arith.select %lt3A_626, %select_n3A_622, %scan3A_572 : vector<16xi1>, vector<16xf32>
      %select_n3A_628 = arith.select %lt3A_626, %select_n3A_623, %scan3A_577 : vector<16xi1>, vector<16xi32>
      %select_n3A_629 = arith.select %lt3A_626, %scan3A_572, %select_n3A_622 : vector<16xi1>, vector<16xf32>
      %select_n3A_630 = arith.select %lt3A_626, %scan3A_577, %select_n3A_623 : vector<16xi1>, vector<16xi32>
      %lt3A_631 = arith.cmpf olt, %select_n3A_627, %scan3A_571 : vector<16xf32>
      %select_n3A_632 = arith.select %lt3A_631, %select_n3A_627, %scan3A_571 : vector<16xi1>, vector<16xf32>
      %select_n3A_633 = arith.select %lt3A_631, %select_n3A_628, %scan3A_576 : vector<16xi1>, vector<16xi32>
      %select_n3A_634 = arith.select %lt3A_631, %scan3A_571, %select_n3A_627 : vector<16xi1>, vector<16xf32>
      %select_n3A_635 = arith.select %lt3A_631, %scan3A_576, %select_n3A_628 : vector<16xi1>, vector<16xi32>
      scf.yield %select_n3A_609, %select_n3A_611, %select_n3A_606, %select_n3A_601, %select_n3A_596, %select_n3A_610, %select_n3A_612, %select_n3A_607, %select_n3A_602, %select_n3A_597, %select_n3A_632, %select_n3A_634, %select_n3A_629, %select_n3A_624, %select_n3A_619, %select_n3A_633, %select_n3A_635, %select_n3A_630, %select_n3A_625, %select_n3A_620 : vector<16xf32>, vector<16xf32>, vector<16xf32>, vector<16xf32>, vector<16xf32>, vector<16xi32>, vector<16xi32>, vector<16xi32>, vector<16xi32>, vector<16xi32>, vector<16xf32>, vector<16xf32>, vector<16xf32>, vector<16xf32>, vector<16xf32>, vector<16xi32>, vector<16xi32>, vector<16xi32>, vector<16xi32>, vector<16xi32>
    }
    %scan3A_149 = arith.constant 100 : i32
    %swap3A_150 = arith.constant 0 : i32
    %swap3A_151 = arith.index_cast %swap3A_150 : i32 to index
    %swap3A_152 = arith.constant 64 : index
    %swap3A_153 = tpu.vector_load %arg5[%swap3A_151, %swap3A_152] {strides = array<i32>} : memref<5x256xi32, #tpu.memory_space<vmem>>, vector<1x16xi32>,
    %swap3A_154 = vector.shape_cast %swap3A_153 : vector<1x16xi32> to vector<16xi32>
    %swap3A_155 = vector.shape_cast %scan3A_148#5 : vector<16xi32> to vector<1x16xi32>
    tpu.vector_store %arg5[%swap3A_151, %swap3A_152], %swap3A_155 {strides = array<i32>} : memref<5x256xi32, #tpu.memory_space<vmem>>, vector<1x16xi32>,
    %swap3A_156 = arith.constant 0 : i32
    %swap3A_157 = arith.index_cast %swap3A_156 : i32 to index
    %swap3A_158 = arith.constant 80 : index
    %swap3A_159 = tpu.vector_load %arg5[%swap3A_157, %swap3A_158] {strides = array<i32>} : memref<5x256xi32, #tpu.memory_space<vmem>>, vector<1x16xi32>,
    %swap3A_160 = vector.shape_cast %swap3A_159 : vector<1x16xi32> to vector<16xi32>
    %swap3A_161 = vector.shape_cast %scan3A_148#15 : vector<16xi32> to vector<1x16xi32>
    tpu.vector_store %arg5[%swap3A_157, %swap3A_158], %swap3A_161 {strides = array<i32>} : memref<5x256xi32, #tpu.memory_space<vmem>>, vector<1x16xi32>,
    %swap3A_162 = arith.constant 1 : i32
    %swap3A_163 = arith.index_cast %swap3A_162 : i32 to index
    %swap3A_164 = arith.constant 64 : index
    %swap3A_165 = tpu.vector_load %arg5[%swap3A_163, %swap3A_164] {strides = array<i32>} : memref<5x256xi32, #tpu.memory_space<vmem>>, vector<1x16xi32>,
    %swap3A_166 = vector.shape_cast %swap3A_165 : vector<1x16xi32> to vector<16xi32>
    %swap3A_167 = vector.shape_cast %scan3A_148#6 : vector<16xi32> to vector<1x16xi32>
    tpu.vector_store %arg5[%swap3A_163, %swap3A_164], %swap3A_167 {strides = array<i32>} : memref<5x256xi32, #tpu.memory_space<vmem>>, vector<1x16xi32>,
    %swap3A_168 = arith.constant 1 : i32
    %swap3A_169 = arith.index_cast %swap3A_168 : i32 to index
    %swap3A_170 = arith.constant 80 : index
    %swap3A_171 = tpu.vector_load %arg5[%swap3A_169, %swap3A_170] {strides = array<i32>} : memref<5x256xi32, #tpu.memory_space<vmem>>, vector<1x16xi32>,
    %swap3A_172 = vector.shape_cast %swap3A_171 : vector<1x16xi32> to vector<16xi32>
    %swap3A_173 = vector.shape_cast %scan3A_148#16 : vector<16xi32> to vector<1x16xi32>
    tpu.vector_store %arg5[%swap3A_169, %swap3A_170], %swap3A_173 {strides = array<i32>} : memref<5x256xi32, #tpu.memory_space<vmem>>, vector<1x16xi32>,
    %swap3A_174 = arith.constant 2 : i32
    %swap3A_175 = arith.index_cast %swap3A_174 : i32 to index
    %swap3A_176 = arith.constant 64 : index
    %swap3A_177 = tpu.vector_load %arg5[%swap3A_175, %swap3A_176] {strides = array<i32>} : memref<5x256xi32, #tpu.memory_space<vmem>>, vector<1x16xi32>,
    %swap3A_178 = vector.shape_cast %swap3A_177 : vector<1x16xi32> to vector<16xi32>
    %swap3A_179 = vector.shape_cast %scan3A_148#7 : vector<16xi32> to vector<1x16xi32>
    tpu.vector_store %arg5[%swap3A_175, %swap3A_176], %swap3A_179 {strides = array<i32>} : memref<5x256xi32, #tpu.memory_space<vmem>>, vector<1x16xi32>,
    %swap3A_180 = arith.constant 2 : i32
    %swap3A_181 = arith.index_cast %swap3A_180 : i32 to index
    %swap3A_182 = arith.constant 80 : index
    %swap3A_183 = tpu.vector_load %arg5[%swap3A_181, %swap3A_182] {strides = array<i32>} : memref<5x256xi32, #tpu.memory_space<vmem>>, vector<1x16xi32>,
    %swap3A_184 = vector.shape_cast %swap3A_183 : vector<1x16xi32> to vector<16xi32>
    %swap3A_185 = vector.shape_cast %scan3A_148#17 : vector<16xi32> to vector<1x16xi32>
    tpu.vector_store %arg5[%swap3A_181, %swap3A_182], %swap3A_185 {strides = array<i32>} : memref<5x256xi32, #tpu.memory_space<vmem>>, vector<1x16xi32>,
    %swap3A_186 = arith.constant 3 : i32
    %swap3A_187 = arith.index_cast %swap3A_186 : i32 to index
    %swap3A_188 = arith.constant 64 : index
    %swap3A_189 = tpu.vector_load %arg5[%swap3A_187, %swap3A_188] {strides = array<i32>} : memref<5x256xi32, #tpu.memory_space<vmem>>, vector<1x16xi32>,
    %swap3A_190 = vector.shape_cast %swap3A_189 : vector<1x16xi32> to vector<16xi32>
    %swap3A_191 = vector.shape_cast %scan3A_148#8 : vector<16xi32> to vector<1x16xi32>
    tpu.vector_store %arg5[%swap3A_187, %swap3A_188], %swap3A_191 {strides = array<i32>} : memref<5x256xi32, #tpu.memory_space<vmem>>, vector<1x16xi32>,
    %swap3A_192 = arith.constant 3 : i32
    %swap3A_193 = arith.index_cast %swap3A_192 : i32 to index
    %swap3A_194 = arith.constant 80 : index
    %swap3A_195 = tpu.vector_load %arg5[%swap3A_193, %swap3A_194] {strides = array<i32>} : memref<5x256xi32, #tpu.memory_space<vmem>>, vector<1x16xi32>,
    %swap3A_196 = vector.shape_cast %swap3A_195 : vector<1x16xi32> to vector<16xi32>
    %swap3A_197 = vector.shape_cast %scan3A_148#18 : vector<16xi32> to vector<1x16xi32>
    tpu.vector_store %arg5[%swap3A_193, %swap3A_194], %swap3A_197 {strides = array<i32>} : memref<5x256xi32, #tpu.memory_space<vmem>>, vector<1x16xi32>,
    %swap3A_198 = arith.constant 4 : i32
    %swap3A_199 = arith.index_cast %swap3A_198 : i32 to index
    %swap3A_200 = arith.constant 64 : index
    %swap3A_201 = tpu.vector_load %arg5[%swap3A_199, %swap3A_200] {strides = array<i32>} : memref<5x256xi32, #tpu.memory_space<vmem>>, vector<1x16xi32>,
    %swap3A_202 = vector.shape_cast %swap3A_201 : vector<1x16xi32> to vector<16xi32>
    %swap3A_203 = vector.shape_cast %scan3A_148#9 : vector<16xi32> to vector<1x16xi32>
    tpu.vector_store %arg5[%swap3A_199, %swap3A_200], %swap3A_203 {strides = array<i32>} : memref<5x256xi32, #tpu.memory_space<vmem>>, vector<1x16xi32>,
    %swap3A_204 = arith.constant 4 : i32
    %swap3A_205 = arith.index_cast %swap3A_204 : i32 to index
    %swap3A_206 = arith.constant 80 : index
    %swap3A_207 = tpu.vector_load %arg5[%swap3A_205, %swap3A_206] {strides = array<i32>} : memref<5x256xi32, #tpu.memory_space<vmem>>, vector<1x16xi32>,
    %swap3A_208 = vector.shape_cast %swap3A_207 : vector<1x16xi32> to vector<16xi32>
    %swap3A_209 = vector.shape_cast %scan3A_148#19 : vector<16xi32> to vector<1x16xi32>
    tpu.vector_store %arg5[%swap3A_205, %swap3A_206], %swap3A_209 {strides = array<i32>} : memref<5x256xi32, #tpu.memory_space<vmem>>, vector<1x16xi32>,
    %broadcast_in_dim3A_210 = arith.constant 0x7F800000 : f32
    %broadcast_in_dim3A_211 = vector.broadcast %broadcast_in_dim3A_210 : f32 to vector<16xf32>
    %broadcast_in_dim3A_212 = arith.constant 0 : i32
    %broadcast_in_dim3A_213 = vector.broadcast %broadcast_in_dim3A_212 : i32 to vector<16xi32>
    %scan3A_214 = arith.constant 0 : i32
    %scan3A_215 = arith.constant 100 : i32
    %scan3A_216 = arith.addi %scan3A_214, %scan3A_215 : i32
    %scan3A_217 = arith.constant 1 : i32
    %scan3A_218:20 = scf.for %scan3A_560 = %scan3A_214 to %scan3A_216 step %scan3A_217 iter_args(%scan3A_561 = %broadcast_in_dim3A_211, %scan3A_562 = %broadcast_in_dim3A_211, %scan3A_563 = %broadcast_in_dim3A_211, %scan3A_564 = %broadcast_in_dim3A_211, %scan3A_565 = %broadcast_in_dim3A_211, %scan3A_566 = %broadcast_in_dim3A_213, %scan3A_567 = %broadcast_in_dim3A_213, %scan3A_568 = %broadcast_in_dim3A_213, %scan3A_569 = %broadcast_in_dim3A_213, %scan3A_570 = %broadcast_in_dim3A_213, %scan3A_571 = %broadcast_in_dim3A_211, %scan3A_572 = %broadcast_in_dim3A_211, %scan3A_573 = %broadcast_in_dim3A_211, %scan3A_574 = %broadcast_in_dim3A_211, %scan3A_575 = %broadcast_in_dim3A_211, %scan3A_576 = %broadcast_in_dim3A_213, %scan3A_577 = %broadcast_in_dim3A_213, %scan3A_578 = %broadcast_in_dim3A_213, %scan3A_579 = %broadcast_in_dim3A_213, %scan3A_580 = %broadcast_in_dim3A_213) -> (vector<16xf32>, vector<16xf32>, vector<16xf32>, vector<16xf32>, vector<16xf32>, vector<16xi32>, vector<16xi32>, vector<16xi32>, vector<16xi32>, vector<16xi32>, vector<16xf32>, vector<16xf32>, vector<16xf32>, vector<16xf32>, vector<16xf32>, vector<16xi32>, vector<16xi32>, vector<16xi32>, vector<16xi32>, vector<16xi32>)  : i32 {
      %get3A = arith.index_cast %scan3A_560 : i32 to index
      %get3A_581 = arith.constant 96 : index
      %get3A_582 = tpu.vector_load %arg4[%get3A, %get3A_581] {strides = array<i32>} : memref<100x256xf32, #tpu.memory_space<vmem>>, vector<1x16xf32>,
      %get3A_583 = vector.shape_cast %get3A_582 : vector<1x16xf32> to vector<16xf32>
      %get3A_584 = arith.index_cast %scan3A_560 : i32 to index
      %get3A_585 = arith.constant 112 : index
      %get3A_586 = tpu.vector_load %arg4[%get3A_584, %get3A_585] {strides = array<i32>} : memref<100x256xf32, #tpu.memory_space<vmem>>, vector<1x16xf32>,
      %get3A_587 = vector.shape_cast %get3A_586 : vector<1x16xf32> to vector<16xf32>
      %broadcast_in_dim3A_588 = arith.constant 0 : i32
      %broadcast_in_dim3A_589 = vector.broadcast %broadcast_in_dim3A_588 : i32 to vector<16xi32>
      %add3A_590 = vector.broadcast %scan3A_560 : i32 to vector<16xi32>
      %add3A_591 = arith.addi %broadcast_in_dim3A_589, %add3A_590 : vector<16xi32>
      %lt3A = arith.cmpf olt, %get3A_583, %scan3A_565 : vector<16xf32>
      %select_n3A = arith.select %lt3A, %get3A_583, %scan3A_565 : vector<16xi1>, vector<16xf32>
      %select_n3A_592 = arith.select %lt3A, %add3A_591, %scan3A_570 : vector<16xi1>, vector<16xi32>
      %lt3A_593 = arith.cmpf olt, %select_n3A, %scan3A_564 : vector<16xf32>
      %select_n3A_594 = arith.select %lt3A_593, %select_n3A, %scan3A_564 : vector<16xi1>, vector<16xf32>
      %select_n3A_595 = arith.select %lt3A_593, %select_n3A_592, %scan3A_569 : vector<16xi1>, vector<16xi32>
      %select_n3A_596 = arith.select %lt3A_593, %scan3A_564, %select_n3A : vector<16xi1>, vector<16xf32>
      %select_n3A_597 = arith.select %lt3A_593, %scan3A_569, %select_n3A_592 : vector<16xi1>, vector<16xi32>
      %lt3A_598 = arith.cmpf olt, %select_n3A_594, %scan3A_563 : vector<16xf32>
      %select_n3A_599 = arith.select %lt3A_598, %select_n3A_594, %scan3A_563 : vector<16xi1>, vector<16xf32>
      %select_n3A_600 = arith.select %lt3A_598, %select_n3A_595, %scan3A_568 : vector<16xi1>, vector<16xi32>
      %select_n3A_601 = arith.select %lt3A_598, %scan3A_563, %select_n3A_594 : vector<16xi1>, vector<16xf32>
      %select_n3A_602 = arith.select %lt3A_598, %scan3A_568, %select_n3A_595 : vector<16xi1>, vector<16xi32>
      %lt3A_603 = arith.cmpf olt, %select_n3A_599, %scan3A_562 : vector<16xf32>
      %select_n3A_604 = arith.select %lt3A_603, %select_n3A_599, %scan3A_562 : vector<16xi1>, vector<16xf32>
      %select_n3A_605 = arith.select %lt3A_603, %select_n3A_600, %scan3A_567 : vector<16xi1>, vector<16xi32>
      %select_n3A_606 = arith.select %lt3A_603, %scan3A_562, %select_n3A_599 : vector<16xi1>, vector<16xf32>
      %select_n3A_607 = arith.select %lt3A_603, %scan3A_567, %select_n3A_600 : vector<16xi1>, vector<16xi32>
      %lt3A_608 = arith.cmpf olt, %select_n3A_604, %scan3A_561 : vector<16xf32>
      %select_n3A_609 = arith.select %lt3A_608, %select_n3A_604, %scan3A_561 : vector<16xi1>, vector<16xf32>
      %select_n3A_610 = arith.select %lt3A_608, %select_n3A_605, %scan3A_566 : vector<16xi1>, vector<16xi32>
      %select_n3A_611 = arith.select %lt3A_608, %scan3A_561, %select_n3A_604 : vector<16xi1>, vector<16xf32>
      %select_n3A_612 = arith.select %lt3A_608, %scan3A_566, %select_n3A_605 : vector<16xi1>, vector<16xi32>
      %lt3A_613 = arith.cmpf olt, %get3A_587, %scan3A_575 : vector<16xf32>
      %select_n3A_614 = arith.select %lt3A_613, %get3A_587, %scan3A_575 : vector<16xi1>, vector<16xf32>
      %select_n3A_615 = arith.select %lt3A_613, %add3A_591, %scan3A_580 : vector<16xi1>, vector<16xi32>
      %lt3A_616 = arith.cmpf olt, %select_n3A_614, %scan3A_574 : vector<16xf32>
      %select_n3A_617 = arith.select %lt3A_616, %select_n3A_614, %scan3A_574 : vector<16xi1>, vector<16xf32>
      %select_n3A_618 = arith.select %lt3A_616, %select_n3A_615, %scan3A_579 : vector<16xi1>, vector<16xi32>
      %select_n3A_619 = arith.select %lt3A_616, %scan3A_574, %select_n3A_614 : vector<16xi1>, vector<16xf32>
      %select_n3A_620 = arith.select %lt3A_616, %scan3A_579, %select_n3A_615 : vector<16xi1>, vector<16xi32>
      %lt3A_621 = arith.cmpf olt, %select_n3A_617, %scan3A_573 : vector<16xf32>
      %select_n3A_622 = arith.select %lt3A_621, %select_n3A_617, %scan3A_573 : vector<16xi1>, vector<16xf32>
      %select_n3A_623 = arith.select %lt3A_621, %select_n3A_618, %scan3A_578 : vector<16xi1>, vector<16xi32>
      %select_n3A_624 = arith.select %lt3A_621, %scan3A_573, %select_n3A_617 : vector<16xi1>, vector<16xf32>
      %select_n3A_625 = arith.select %lt3A_621, %scan3A_578, %select_n3A_618 : vector<16xi1>, vector<16xi32>
      %lt3A_626 = arith.cmpf olt, %select_n3A_622, %scan3A_572 : vector<16xf32>
      %select_n3A_627 = arith.select %lt3A_626, %select_n3A_622, %scan3A_572 : vector<16xi1>, vector<16xf32>
      %select_n3A_628 = arith.select %lt3A_626, %select_n3A_623, %scan3A_577 : vector<16xi1>, vector<16xi32>
      %select_n3A_629 = arith.select %lt3A_626, %scan3A_572, %select_n3A_622 : vector<16xi1>, vector<16xf32>
      %select_n3A_630 = arith.select %lt3A_626, %scan3A_577, %select_n3A_623 : vector<16xi1>, vector<16xi32>
      %lt3A_631 = arith.cmpf olt, %select_n3A_627, %scan3A_571 : vector<16xf32>
      %select_n3A_632 = arith.select %lt3A_631, %select_n3A_627, %scan3A_571 : vector<16xi1>, vector<16xf32>
      %select_n3A_633 = arith.select %lt3A_631, %select_n3A_628, %scan3A_576 : vector<16xi1>, vector<16xi32>
      %select_n3A_634 = arith.select %lt3A_631, %scan3A_571, %select_n3A_627 : vector<16xi1>, vector<16xf32>
      %select_n3A_635 = arith.select %lt3A_631, %scan3A_576, %select_n3A_628 : vector<16xi1>, vector<16xi32>
      scf.yield %select_n3A_609, %select_n3A_611, %select_n3A_606, %select_n3A_601, %select_n3A_596, %select_n3A_610, %select_n3A_612, %select_n3A_607, %select_n3A_602, %select_n3A_597, %select_n3A_632, %select_n3A_634, %select_n3A_629, %select_n3A_624, %select_n3A_619, %select_n3A_633, %select_n3A_635, %select_n3A_630, %select_n3A_625, %select_n3A_620 : vector<16xf32>, vector<16xf32>, vector<16xf32>, vector<16xf32>, vector<16xf32>, vector<16xi32>, vector<16xi32>, vector<16xi32>, vector<16xi32>, vector<16xi32>, vector<16xf32>, vector<16xf32>, vector<16xf32>, vector<16xf32>, vector<16xf32>, vector<16xi32>, vector<16xi32>, vector<16xi32>, vector<16xi32>, vector<16xi32>
    }
    %scan3A_219 = arith.constant 100 : i32
    %swap3A_220 = arith.constant 0 : i32
    %swap3A_221 = arith.index_cast %swap3A_220 : i32 to index
    %swap3A_222 = arith.constant 96 : index
    %swap3A_223 = tpu.vector_load %arg5[%swap3A_221, %swap3A_222] {strides = array<i32>} : memref<5x256xi32, #tpu.memory_space<vmem>>, vector<1x16xi32>,
    %swap3A_224 = vector.shape_cast %swap3A_223 : vector<1x16xi32> to vector<16xi32>
    %swap3A_225 = vector.shape_cast %scan3A_218#5 : vector<16xi32> to vector<1x16xi32>
    tpu.vector_store %arg5[%swap3A_221, %swap3A_222], %swap3A_225 {strides = array<i32>} : memref<5x256xi32, #tpu.memory_space<vmem>>, vector<1x16xi32>,
    %swap3A_226 = arith.constant 0 : i32
    %swap3A_227 = arith.index_cast %swap3A_226 : i32 to index
    %swap3A_228 = arith.constant 112 : index
    %swap3A_229 = tpu.vector_load %arg5[%swap3A_227, %swap3A_228] {strides = array<i32>} : memref<5x256xi32, #tpu.memory_space<vmem>>, vector<1x16xi32>,
    %swap3A_230 = vector.shape_cast %swap3A_229 : vector<1x16xi32> to vector<16xi32>
    %swap3A_231 = vector.shape_cast %scan3A_218#15 : vector<16xi32> to vector<1x16xi32>
    tpu.vector_store %arg5[%swap3A_227, %swap3A_228], %swap3A_231 {strides = array<i32>} : memref<5x256xi32, #tpu.memory_space<vmem>>, vector<1x16xi32>,
    %swap3A_232 = arith.constant 1 : i32
    %swap3A_233 = arith.index_cast %swap3A_232 : i32 to index
    %swap3A_234 = arith.constant 96 : index
    %swap3A_235 = tpu.vector_load %arg5[%swap3A_233, %swap3A_234] {strides = array<i32>} : memref<5x256xi32, #tpu.memory_space<vmem>>, vector<1x16xi32>,
    %swap3A_236 = vector.shape_cast %swap3A_235 : vector<1x16xi32> to vector<16xi32>
    %swap3A_237 = vector.shape_cast %scan3A_218#6 : vector<16xi32> to vector<1x16xi32>
    tpu.vector_store %arg5[%swap3A_233, %swap3A_234], %swap3A_237 {strides = array<i32>} : memref<5x256xi32, #tpu.memory_space<vmem>>, vector<1x16xi32>,
    %swap3A_238 = arith.constant 1 : i32
    %swap3A_239 = arith.index_cast %swap3A_238 : i32 to index
    %swap3A_240 = arith.constant 112 : index
    %swap3A_241 = tpu.vector_load %arg5[%swap3A_239, %swap3A_240] {strides = array<i32>} : memref<5x256xi32, #tpu.memory_space<vmem>>, vector<1x16xi32>,
    %swap3A_242 = vector.shape_cast %swap3A_241 : vector<1x16xi32> to vector<16xi32>
    %swap3A_243 = vector.shape_cast %scan3A_218#16 : vector<16xi32> to vector<1x16xi32>
    tpu.vector_store %arg5[%swap3A_239, %swap3A_240], %swap3A_243 {strides = array<i32>} : memref<5x256xi32, #tpu.memory_space<vmem>>, vector<1x16xi32>,
    %swap3A_244 = arith.constant 2 : i32
    %swap3A_245 = arith.index_cast %swap3A_244 : i32 to index
    %swap3A_246 = arith.constant 96 : index
    %swap3A_247 = tpu.vector_load %arg5[%swap3A_245, %swap3A_246] {strides = array<i32>} : memref<5x256xi32, #tpu.memory_space<vmem>>, vector<1x16xi32>,
    %swap3A_248 = vector.shape_cast %swap3A_247 : vector<1x16xi32> to vector<16xi32>
    %swap3A_249 = vector.shape_cast %scan3A_218#7 : vector<16xi32> to vector<1x16xi32>
    tpu.vector_store %arg5[%swap3A_245, %swap3A_246], %swap3A_249 {strides = array<i32>} : memref<5x256xi32, #tpu.memory_space<vmem>>, vector<1x16xi32>,
    %swap3A_250 = arith.constant 2 : i32
    %swap3A_251 = arith.index_cast %swap3A_250 : i32 to index
    %swap3A_252 = arith.constant 112 : index
    %swap3A_253 = tpu.vector_load %arg5[%swap3A_251, %swap3A_252] {strides = array<i32>} : memref<5x256xi32, #tpu.memory_space<vmem>>, vector<1x16xi32>,
    %swap3A_254 = vector.shape_cast %swap3A_253 : vector<1x16xi32> to vector<16xi32>
    %swap3A_255 = vector.shape_cast %scan3A_218#17 : vector<16xi32> to vector<1x16xi32>
    tpu.vector_store %arg5[%swap3A_251, %swap3A_252], %swap3A_255 {strides = array<i32>} : memref<5x256xi32, #tpu.memory_space<vmem>>, vector<1x16xi32>,
    %swap3A_256 = arith.constant 3 : i32
    %swap3A_257 = arith.index_cast %swap3A_256 : i32 to index
    %swap3A_258 = arith.constant 96 : index
    %swap3A_259 = tpu.vector_load %arg5[%swap3A_257, %swap3A_258] {strides = array<i32>} : memref<5x256xi32, #tpu.memory_space<vmem>>, vector<1x16xi32>,
    %swap3A_260 = vector.shape_cast %swap3A_259 : vector<1x16xi32> to vector<16xi32>
    %swap3A_261 = vector.shape_cast %scan3A_218#8 : vector<16xi32> to vector<1x16xi32>
    tpu.vector_store %arg5[%swap3A_257, %swap3A_258], %swap3A_261 {strides = array<i32>} : memref<5x256xi32, #tpu.memory_space<vmem>>, vector<1x16xi32>,
    %swap3A_262 = arith.constant 3 : i32
    %swap3A_263 = arith.index_cast %swap3A_262 : i32 to index
    %swap3A_264 = arith.constant 112 : index
    %swap3A_265 = tpu.vector_load %arg5[%swap3A_263, %swap3A_264] {strides = array<i32>} : memref<5x256xi32, #tpu.memory_space<vmem>>, vector<1x16xi32>,
    %swap3A_266 = vector.shape_cast %swap3A_265 : vector<1x16xi32> to vector<16xi32>
    %swap3A_267 = vector.shape_cast %scan3A_218#18 : vector<16xi32> to vector<1x16xi32>
    tpu.vector_store %arg5[%swap3A_263, %swap3A_264], %swap3A_267 {strides = array<i32>} : memref<5x256xi32, #tpu.memory_space<vmem>>, vector<1x16xi32>,
    %swap3A_268 = arith.constant 4 : i32
    %swap3A_269 = arith.index_cast %swap3A_268 : i32 to index
    %swap3A_270 = arith.constant 96 : index
    %swap3A_271 = tpu.vector_load %arg5[%swap3A_269, %swap3A_270] {strides = array<i32>} : memref<5x256xi32, #tpu.memory_space<vmem>>, vector<1x16xi32>,
    %swap3A_272 = vector.shape_cast %swap3A_271 : vector<1x16xi32> to vector<16xi32>
    %swap3A_273 = vector.shape_cast %scan3A_218#9 : vector<16xi32> to vector<1x16xi32>
    tpu.vector_store %arg5[%swap3A_269, %swap3A_270], %swap3A_273 {strides = array<i32>} : memref<5x256xi32, #tpu.memory_space<vmem>>, vector<1x16xi32>,
    %swap3A_274 = arith.constant 4 : i32
    %swap3A_275 = arith.index_cast %swap3A_274 : i32 to index
    %swap3A_276 = arith.constant 112 : index
    %swap3A_277 = tpu.vector_load %arg5[%swap3A_275, %swap3A_276] {strides = array<i32>} : memref<5x256xi32, #tpu.memory_space<vmem>>, vector<1x16xi32>,
    %swap3A_278 = vector.shape_cast %swap3A_277 : vector<1x16xi32> to vector<16xi32>
    %swap3A_279 = vector.shape_cast %scan3A_218#19 : vector<16xi32> to vector<1x16xi32>
    tpu.vector_store %arg5[%swap3A_275, %swap3A_276], %swap3A_279 {strides = array<i32>} : memref<5x256xi32, #tpu.memory_space<vmem>>, vector<1x16xi32>,
    %broadcast_in_dim3A_280 = arith.constant 0x7F800000 : f32
    %broadcast_in_dim3A_281 = vector.broadcast %broadcast_in_dim3A_280 : f32 to vector<16xf32>
    %broadcast_in_dim3A_282 = arith.constant 0 : i32
    %broadcast_in_dim3A_283 = vector.broadcast %broadcast_in_dim3A_282 : i32 to vector<16xi32>
    %scan3A_284 = arith.constant 0 : i32
    %scan3A_285 = arith.constant 100 : i32
    %scan3A_286 = arith.addi %scan3A_284, %scan3A_285 : i32
    %scan3A_287 = arith.constant 1 : i32
    %scan3A_288:20 = scf.for %scan3A_560 = %scan3A_284 to %scan3A_286 step %scan3A_287 iter_args(%scan3A_561 = %broadcast_in_dim3A_281, %scan3A_562 = %broadcast_in_dim3A_281, %scan3A_563 = %broadcast_in_dim3A_281, %scan3A_564 = %broadcast_in_dim3A_281, %scan3A_565 = %broadcast_in_dim3A_281, %scan3A_566 = %broadcast_in_dim3A_283, %scan3A_567 = %broadcast_in_dim3A_283, %scan3A_568 = %broadcast_in_dim3A_283, %scan3A_569 = %broadcast_in_dim3A_283, %scan3A_570 = %broadcast_in_dim3A_283, %scan3A_571 = %broadcast_in_dim3A_281, %scan3A_572 = %broadcast_in_dim3A_281, %scan3A_573 = %broadcast_in_dim3A_281, %scan3A_574 = %broadcast_in_dim3A_281, %scan3A_575 = %broadcast_in_dim3A_281, %scan3A_576 = %broadcast_in_dim3A_283, %scan3A_577 = %broadcast_in_dim3A_283, %scan3A_578 = %broadcast_in_dim3A_283, %scan3A_579 = %broadcast_in_dim3A_283, %scan3A_580 = %broadcast_in_dim3A_283) -> (vector<16xf32>, vector<16xf32>, vector<16xf32>, vector<16xf32>, vector<16xf32>, vector<16xi32>, vector<16xi32>, vector<16xi32>, vector<16xi32>, vector<16xi32>, vector<16xf32>, vector<16xf32>, vector<16xf32>, vector<16xf32>, vector<16xf32>, vector<16xi32>, vector<16xi32>, vector<16xi32>, vector<16xi32>, vector<16xi32>)  : i32 {
      %get3A = arith.index_cast %scan3A_560 : i32 to index
      %get3A_581 = arith.constant 128 : index
      %get3A_582 = tpu.vector_load %arg4[%get3A, %get3A_581] {strides = array<i32>} : memref<100x256xf32, #tpu.memory_space<vmem>>, vector<1x16xf32>,
      %get3A_583 = vector.shape_cast %get3A_582 : vector<1x16xf32> to vector<16xf32>
      %get3A_584 = arith.index_cast %scan3A_560 : i32 to index
      %get3A_585 = arith.constant 144 : index
      %get3A_586 = tpu.vector_load %arg4[%get3A_584, %get3A_585] {strides = array<i32>} : memref<100x256xf32, #tpu.memory_space<vmem>>, vector<1x16xf32>,
      %get3A_587 = vector.shape_cast %get3A_586 : vector<1x16xf32> to vector<16xf32>
      %broadcast_in_dim3A_588 = arith.constant 0 : i32
      %broadcast_in_dim3A_589 = vector.broadcast %broadcast_in_dim3A_588 : i32 to vector<16xi32>
      %add3A_590 = vector.broadcast %scan3A_560 : i32 to vector<16xi32>
      %add3A_591 = arith.addi %broadcast_in_dim3A_589, %add3A_590 : vector<16xi32>
      %lt3A = arith.cmpf olt, %get3A_583, %scan3A_565 : vector<16xf32>
      %select_n3A = arith.select %lt3A, %get3A_583, %scan3A_565 : vector<16xi1>, vector<16xf32>
      %select_n3A_592 = arith.select %lt3A, %add3A_591, %scan3A_570 : vector<16xi1>, vector<16xi32>
      %lt3A_593 = arith.cmpf olt, %select_n3A, %scan3A_564 : vector<16xf32>
      %select_n3A_594 = arith.select %lt3A_593, %select_n3A, %scan3A_564 : vector<16xi1>, vector<16xf32>
      %select_n3A_595 = arith.select %lt3A_593, %select_n3A_592, %scan3A_569 : vector<16xi1>, vector<16xi32>
      %select_n3A_596 = arith.select %lt3A_593, %scan3A_564, %select_n3A : vector<16xi1>, vector<16xf32>
      %select_n3A_597 = arith.select %lt3A_593, %scan3A_569, %select_n3A_592 : vector<16xi1>, vector<16xi32>
      %lt3A_598 = arith.cmpf olt, %select_n3A_594, %scan3A_563 : vector<16xf32>
      %select_n3A_599 = arith.select %lt3A_598, %select_n3A_594, %scan3A_563 : vector<16xi1>, vector<16xf32>
      %select_n3A_600 = arith.select %lt3A_598, %select_n3A_595, %scan3A_568 : vector<16xi1>, vector<16xi32>
      %select_n3A_601 = arith.select %lt3A_598, %scan3A_563, %select_n3A_594 : vector<16xi1>, vector<16xf32>
      %select_n3A_602 = arith.select %lt3A_598, %scan3A_568, %select_n3A_595 : vector<16xi1>, vector<16xi32>
      %lt3A_603 = arith.cmpf olt, %select_n3A_599, %scan3A_562 : vector<16xf32>
      %select_n3A_604 = arith.select %lt3A_603, %select_n3A_599, %scan3A_562 : vector<16xi1>, vector<16xf32>
      %select_n3A_605 = arith.select %lt3A_603, %select_n3A_600, %scan3A_567 : vector<16xi1>, vector<16xi32>
      %select_n3A_606 = arith.select %lt3A_603, %scan3A_562, %select_n3A_599 : vector<16xi1>, vector<16xf32>
      %select_n3A_607 = arith.select %lt3A_603, %scan3A_567, %select_n3A_600 : vector<16xi1>, vector<16xi32>
      %lt3A_608 = arith.cmpf olt, %select_n3A_604, %scan3A_561 : vector<16xf32>
      %select_n3A_609 = arith.select %lt3A_608, %select_n3A_604, %scan3A_561 : vector<16xi1>, vector<16xf32>
      %select_n3A_610 = arith.select %lt3A_608, %select_n3A_605, %scan3A_566 : vector<16xi1>, vector<16xi32>
      %select_n3A_611 = arith.select %lt3A_608, %scan3A_561, %select_n3A_604 : vector<16xi1>, vector<16xf32>
      %select_n3A_612 = arith.select %lt3A_608, %scan3A_566, %select_n3A_605 : vector<16xi1>, vector<16xi32>
      %lt3A_613 = arith.cmpf olt, %get3A_587, %scan3A_575 : vector<16xf32>
      %select_n3A_614 = arith.select %lt3A_613, %get3A_587, %scan3A_575 : vector<16xi1>, vector<16xf32>
      %select_n3A_615 = arith.select %lt3A_613, %add3A_591, %scan3A_580 : vector<16xi1>, vector<16xi32>
      %lt3A_616 = arith.cmpf olt, %select_n3A_614, %scan3A_574 : vector<16xf32>
      %select_n3A_617 = arith.select %lt3A_616, %select_n3A_614, %scan3A_574 : vector<16xi1>, vector<16xf32>
      %select_n3A_618 = arith.select %lt3A_616, %select_n3A_615, %scan3A_579 : vector<16xi1>, vector<16xi32>
      %select_n3A_619 = arith.select %lt3A_616, %scan3A_574, %select_n3A_614 : vector<16xi1>, vector<16xf32>
      %select_n3A_620 = arith.select %lt3A_616, %scan3A_579, %select_n3A_615 : vector<16xi1>, vector<16xi32>
      %lt3A_621 = arith.cmpf olt, %select_n3A_617, %scan3A_573 : vector<16xf32>
      %select_n3A_622 = arith.select %lt3A_621, %select_n3A_617, %scan3A_573 : vector<16xi1>, vector<16xf32>
      %select_n3A_623 = arith.select %lt3A_621, %select_n3A_618, %scan3A_578 : vector<16xi1>, vector<16xi32>
      %select_n3A_624 = arith.select %lt3A_621, %scan3A_573, %select_n3A_617 : vector<16xi1>, vector<16xf32>
      %select_n3A_625 = arith.select %lt3A_621, %scan3A_578, %select_n3A_618 : vector<16xi1>, vector<16xi32>
      %lt3A_626 = arith.cmpf olt, %select_n3A_622, %scan3A_572 : vector<16xf32>
      %select_n3A_627 = arith.select %lt3A_626, %select_n3A_622, %scan3A_572 : vector<16xi1>, vector<16xf32>
      %select_n3A_628 = arith.select %lt3A_626, %select_n3A_623, %scan3A_577 : vector<16xi1>, vector<16xi32>
      %select_n3A_629 = arith.select %lt3A_626, %scan3A_572, %select_n3A_622 : vector<16xi1>, vector<16xf32>
      %select_n3A_630 = arith.select %lt3A_626, %scan3A_577, %select_n3A_623 : vector<16xi1>, vector<16xi32>
      %lt3A_631 = arith.cmpf olt, %select_n3A_627, %scan3A_571 : vector<16xf32>
      %select_n3A_632 = arith.select %lt3A_631, %select_n3A_627, %scan3A_571 : vector<16xi1>, vector<16xf32>
      %select_n3A_633 = arith.select %lt3A_631, %select_n3A_628, %scan3A_576 : vector<16xi1>, vector<16xi32>
      %select_n3A_634 = arith.select %lt3A_631, %scan3A_571, %select_n3A_627 : vector<16xi1>, vector<16xf32>
      %select_n3A_635 = arith.select %lt3A_631, %scan3A_576, %select_n3A_628 : vector<16xi1>, vector<16xi32>
      scf.yield %select_n3A_609, %select_n3A_611, %select_n3A_606, %select_n3A_601, %select_n3A_596, %select_n3A_610, %select_n3A_612, %select_n3A_607, %select_n3A_602, %select_n3A_597, %select_n3A_632, %select_n3A_634, %select_n3A_629, %select_n3A_624, %select_n3A_619, %select_n3A_633, %select_n3A_635, %select_n3A_630, %select_n3A_625, %select_n3A_620 : vector<16xf32>, vector<16xf32>, vector<16xf32>, vector<16xf32>, vector<16xf32>, vector<16xi32>, vector<16xi32>, vector<16xi32>, vector<16xi32>, vector<16xi32>, vector<16xf32>, vector<16xf32>, vector<16xf32>, vector<16xf32>, vector<16xf32>, vector<16xi32>, vector<16xi32>, vector<16xi32>, vector<16xi32>, vector<16xi32>
    }
    %scan3A_289 = arith.constant 100 : i32
    %swap3A_290 = arith.constant 0 : i32
    %swap3A_291 = arith.index_cast %swap3A_290 : i32 to index
    %swap3A_292 = arith.constant 128 : index
    %swap3A_293 = tpu.vector_load %arg5[%swap3A_291, %swap3A_292] {strides = array<i32>} : memref<5x256xi32, #tpu.memory_space<vmem>>, vector<1x16xi32>,
    %swap3A_294 = vector.shape_cast %swap3A_293 : vector<1x16xi32> to vector<16xi32>
    %swap3A_295 = vector.shape_cast %scan3A_288#5 : vector<16xi32> to vector<1x16xi32>
    tpu.vector_store %arg5[%swap3A_291, %swap3A_292], %swap3A_295 {strides = array<i32>} : memref<5x256xi32, #tpu.memory_space<vmem>>, vector<1x16xi32>,
    %swap3A_296 = arith.constant 0 : i32
    %swap3A_297 = arith.index_cast %swap3A_296 : i32 to index
    %swap3A_298 = arith.constant 144 : index
    %swap3A_299 = tpu.vector_load %arg5[%swap3A_297, %swap3A_298] {strides = array<i32>} : memref<5x256xi32, #tpu.memory_space<vmem>>, vector<1x16xi32>,
    %swap3A_300 = vector.shape_cast %swap3A_299 : vector<1x16xi32> to vector<16xi32>
    %swap3A_301 = vector.shape_cast %scan3A_288#15 : vector<16xi32> to vector<1x16xi32>
    tpu.vector_store %arg5[%swap3A_297, %swap3A_298], %swap3A_301 {strides = array<i32>} : memref<5x256xi32, #tpu.memory_space<vmem>>, vector<1x16xi32>,
    %swap3A_302 = arith.constant 1 : i32
    %swap3A_303 = arith.index_cast %swap3A_302 : i32 to index
    %swap3A_304 = arith.constant 128 : index
    %swap3A_305 = tpu.vector_load %arg5[%swap3A_303, %swap3A_304] {strides = array<i32>} : memref<5x256xi32, #tpu.memory_space<vmem>>, vector<1x16xi32>,
    %swap3A_306 = vector.shape_cast %swap3A_305 : vector<1x16xi32> to vector<16xi32>
    %swap3A_307 = vector.shape_cast %scan3A_288#6 : vector<16xi32> to vector<1x16xi32>
    tpu.vector_store %arg5[%swap3A_303, %swap3A_304], %swap3A_307 {strides = array<i32>} : memref<5x256xi32, #tpu.memory_space<vmem>>, vector<1x16xi32>,
    %swap3A_308 = arith.constant 1 : i32
    %swap3A_309 = arith.index_cast %swap3A_308 : i32 to index
    %swap3A_310 = arith.constant 144 : index
    %swap3A_311 = tpu.vector_load %arg5[%swap3A_309, %swap3A_310] {strides = array<i32>} : memref<5x256xi32, #tpu.memory_space<vmem>>, vector<1x16xi32>,
    %swap3A_312 = vector.shape_cast %swap3A_311 : vector<1x16xi32> to vector<16xi32>
    %swap3A_313 = vector.shape_cast %scan3A_288#16 : vector<16xi32> to vector<1x16xi32>
    tpu.vector_store %arg5[%swap3A_309, %swap3A_310], %swap3A_313 {strides = array<i32>} : memref<5x256xi32, #tpu.memory_space<vmem>>, vector<1x16xi32>,
    %swap3A_314 = arith.constant 2 : i32
    %swap3A_315 = arith.index_cast %swap3A_314 : i32 to index
    %swap3A_316 = arith.constant 128 : index
    %swap3A_317 = tpu.vector_load %arg5[%swap3A_315, %swap3A_316] {strides = array<i32>} : memref<5x256xi32, #tpu.memory_space<vmem>>, vector<1x16xi32>,
    %swap3A_318 = vector.shape_cast %swap3A_317 : vector<1x16xi32> to vector<16xi32>
    %swap3A_319 = vector.shape_cast %scan3A_288#7 : vector<16xi32> to vector<1x16xi32>
    tpu.vector_store %arg5[%swap3A_315, %swap3A_316], %swap3A_319 {strides = array<i32>} : memref<5x256xi32, #tpu.memory_space<vmem>>, vector<1x16xi32>,
    %swap3A_320 = arith.constant 2 : i32
    %swap3A_321 = arith.index_cast %swap3A_320 : i32 to index
    %swap3A_322 = arith.constant 144 : index
    %swap3A_323 = tpu.vector_load %arg5[%swap3A_321, %swap3A_322] {strides = array<i32>} : memref<5x256xi32, #tpu.memory_space<vmem>>, vector<1x16xi32>,
    %swap3A_324 = vector.shape_cast %swap3A_323 : vector<1x16xi32> to vector<16xi32>
    %swap3A_325 = vector.shape_cast %scan3A_288#17 : vector<16xi32> to vector<1x16xi32>
    tpu.vector_store %arg5[%swap3A_321, %swap3A_322], %swap3A_325 {strides = array<i32>} : memref<5x256xi32, #tpu.memory_space<vmem>>, vector<1x16xi32>,
    %swap3A_326 = arith.constant 3 : i32
    %swap3A_327 = arith.index_cast %swap3A_326 : i32 to index
    %swap3A_328 = arith.constant 128 : index
    %swap3A_329 = tpu.vector_load %arg5[%swap3A_327, %swap3A_328] {strides = array<i32>} : memref<5x256xi32, #tpu.memory_space<vmem>>, vector<1x16xi32>,
    %swap3A_330 = vector.shape_cast %swap3A_329 : vector<1x16xi32> to vector<16xi32>
    %swap3A_331 = vector.shape_cast %scan3A_288#8 : vector<16xi32> to vector<1x16xi32>
    tpu.vector_store %arg5[%swap3A_327, %swap3A_328], %swap3A_331 {strides = array<i32>} : memref<5x256xi32, #tpu.memory_space<vmem>>, vector<1x16xi32>,
    %swap3A_332 = arith.constant 3 : i32
    %swap3A_333 = arith.index_cast %swap3A_332 : i32 to index
    %swap3A_334 = arith.constant 144 : index
    %swap3A_335 = tpu.vector_load %arg5[%swap3A_333, %swap3A_334] {strides = array<i32>} : memref<5x256xi32, #tpu.memory_space<vmem>>, vector<1x16xi32>,
    %swap3A_336 = vector.shape_cast %swap3A_335 : vector<1x16xi32> to vector<16xi32>
    %swap3A_337 = vector.shape_cast %scan3A_288#18 : vector<16xi32> to vector<1x16xi32>
    tpu.vector_store %arg5[%swap3A_333, %swap3A_334], %swap3A_337 {strides = array<i32>} : memref<5x256xi32, #tpu.memory_space<vmem>>, vector<1x16xi32>,
    %swap3A_338 = arith.constant 4 : i32
    %swap3A_339 = arith.index_cast %swap3A_338 : i32 to index
    %swap3A_340 = arith.constant 128 : index
    %swap3A_341 = tpu.vector_load %arg5[%swap3A_339, %swap3A_340] {strides = array<i32>} : memref<5x256xi32, #tpu.memory_space<vmem>>, vector<1x16xi32>,
    %swap3A_342 = vector.shape_cast %swap3A_341 : vector<1x16xi32> to vector<16xi32>
    %swap3A_343 = vector.shape_cast %scan3A_288#9 : vector<16xi32> to vector<1x16xi32>
    tpu.vector_store %arg5[%swap3A_339, %swap3A_340], %swap3A_343 {strides = array<i32>} : memref<5x256xi32, #tpu.memory_space<vmem>>, vector<1x16xi32>,
    %swap3A_344 = arith.constant 4 : i32
    %swap3A_345 = arith.index_cast %swap3A_344 : i32 to index
    %swap3A_346 = arith.constant 144 : index
    %swap3A_347 = tpu.vector_load %arg5[%swap3A_345, %swap3A_346] {strides = array<i32>} : memref<5x256xi32, #tpu.memory_space<vmem>>, vector<1x16xi32>,
    %swap3A_348 = vector.shape_cast %swap3A_347 : vector<1x16xi32> to vector<16xi32>
    %swap3A_349 = vector.shape_cast %scan3A_288#19 : vector<16xi32> to vector<1x16xi32>
    tpu.vector_store %arg5[%swap3A_345, %swap3A_346], %swap3A_349 {strides = array<i32>} : memref<5x256xi32, #tpu.memory_space<vmem>>, vector<1x16xi32>,
    %broadcast_in_dim3A_350 = arith.constant 0x7F800000 : f32
    %broadcast_in_dim3A_351 = vector.broadcast %broadcast_in_dim3A_350 : f32 to vector<16xf32>
    %broadcast_in_dim3A_352 = arith.constant 0 : i32
    %broadcast_in_dim3A_353 = vector.broadcast %broadcast_in_dim3A_352 : i32 to vector<16xi32>
    %scan3A_354 = arith.constant 0 : i32
    %scan3A_355 = arith.constant 100 : i32
    %scan3A_356 = arith.addi %scan3A_354, %scan3A_355 : i32
    %scan3A_357 = arith.constant 1 : i32
    %scan3A_358:20 = scf.for %scan3A_560 = %scan3A_354 to %scan3A_356 step %scan3A_357 iter_args(%scan3A_561 = %broadcast_in_dim3A_351, %scan3A_562 = %broadcast_in_dim3A_351, %scan3A_563 = %broadcast_in_dim3A_351, %scan3A_564 = %broadcast_in_dim3A_351, %scan3A_565 = %broadcast_in_dim3A_351, %scan3A_566 = %broadcast_in_dim3A_353, %scan3A_567 = %broadcast_in_dim3A_353, %scan3A_568 = %broadcast_in_dim3A_353, %scan3A_569 = %broadcast_in_dim3A_353, %scan3A_570 = %broadcast_in_dim3A_353, %scan3A_571 = %broadcast_in_dim3A_351, %scan3A_572 = %broadcast_in_dim3A_351, %scan3A_573 = %broadcast_in_dim3A_351, %scan3A_574 = %broadcast_in_dim3A_351, %scan3A_575 = %broadcast_in_dim3A_351, %scan3A_576 = %broadcast_in_dim3A_353, %scan3A_577 = %broadcast_in_dim3A_353, %scan3A_578 = %broadcast_in_dim3A_353, %scan3A_579 = %broadcast_in_dim3A_353, %scan3A_580 = %broadcast_in_dim3A_353) -> (vector<16xf32>, vector<16xf32>, vector<16xf32>, vector<16xf32>, vector<16xf32>, vector<16xi32>, vector<16xi32>, vector<16xi32>, vector<16xi32>, vector<16xi32>, vector<16xf32>, vector<16xf32>, vector<16xf32>, vector<16xf32>, vector<16xf32>, vector<16xi32>, vector<16xi32>, vector<16xi32>, vector<16xi32>, vector<16xi32>)  : i32 {
      %get3A = arith.index_cast %scan3A_560 : i32 to index
      %get3A_581 = arith.constant 160 : index
      %get3A_582 = tpu.vector_load %arg4[%get3A, %get3A_581] {strides = array<i32>} : memref<100x256xf32, #tpu.memory_space<vmem>>, vector<1x16xf32>,
      %get3A_583 = vector.shape_cast %get3A_582 : vector<1x16xf32> to vector<16xf32>
      %get3A_584 = arith.index_cast %scan3A_560 : i32 to index
      %get3A_585 = arith.constant 176 : index
      %get3A_586 = tpu.vector_load %arg4[%get3A_584, %get3A_585] {strides = array<i32>} : memref<100x256xf32, #tpu.memory_space<vmem>>, vector<1x16xf32>,
      %get3A_587 = vector.shape_cast %get3A_586 : vector<1x16xf32> to vector<16xf32>
      %broadcast_in_dim3A_588 = arith.constant 0 : i32
      %broadcast_in_dim3A_589 = vector.broadcast %broadcast_in_dim3A_588 : i32 to vector<16xi32>
      %add3A_590 = vector.broadcast %scan3A_560 : i32 to vector<16xi32>
      %add3A_591 = arith.addi %broadcast_in_dim3A_589, %add3A_590 : vector<16xi32>
      %lt3A = arith.cmpf olt, %get3A_583, %scan3A_565 : vector<16xf32>
      %select_n3A = arith.select %lt3A, %get3A_583, %scan3A_565 : vector<16xi1>, vector<16xf32>
      %select_n3A_592 = arith.select %lt3A, %add3A_591, %scan3A_570 : vector<16xi1>, vector<16xi32>
      %lt3A_593 = arith.cmpf olt, %select_n3A, %scan3A_564 : vector<16xf32>
      %select_n3A_594 = arith.select %lt3A_593, %select_n3A, %scan3A_564 : vector<16xi1>, vector<16xf32>
      %select_n3A_595 = arith.select %lt3A_593, %select_n3A_592, %scan3A_569 : vector<16xi1>, vector<16xi32>
      %select_n3A_596 = arith.select %lt3A_593, %scan3A_564, %select_n3A : vector<16xi1>, vector<16xf32>
      %select_n3A_597 = arith.select %lt3A_593, %scan3A_569, %select_n3A_592 : vector<16xi1>, vector<16xi32>
      %lt3A_598 = arith.cmpf olt, %select_n3A_594, %scan3A_563 : vector<16xf32>
      %select_n3A_599 = arith.select %lt3A_598, %select_n3A_594, %scan3A_563 : vector<16xi1>, vector<16xf32>
      %select_n3A_600 = arith.select %lt3A_598, %select_n3A_595, %scan3A_568 : vector<16xi1>, vector<16xi32>
      %select_n3A_601 = arith.select %lt3A_598, %scan3A_563, %select_n3A_594 : vector<16xi1>, vector<16xf32>
      %select_n3A_602 = arith.select %lt3A_598, %scan3A_568, %select_n3A_595 : vector<16xi1>, vector<16xi32>
      %lt3A_603 = arith.cmpf olt, %select_n3A_599, %scan3A_562 : vector<16xf32>
      %select_n3A_604 = arith.select %lt3A_603, %select_n3A_599, %scan3A_562 : vector<16xi1>, vector<16xf32>
      %select_n3A_605 = arith.select %lt3A_603, %select_n3A_600, %scan3A_567 : vector<16xi1>, vector<16xi32>
      %select_n3A_606 = arith.select %lt3A_603, %scan3A_562, %select_n3A_599 : vector<16xi1>, vector<16xf32>
      %select_n3A_607 = arith.select %lt3A_603, %scan3A_567, %select_n3A_600 : vector<16xi1>, vector<16xi32>
      %lt3A_608 = arith.cmpf olt, %select_n3A_604, %scan3A_561 : vector<16xf32>
      %select_n3A_609 = arith.select %lt3A_608, %select_n3A_604, %scan3A_561 : vector<16xi1>, vector<16xf32>
      %select_n3A_610 = arith.select %lt3A_608, %select_n3A_605, %scan3A_566 : vector<16xi1>, vector<16xi32>
      %select_n3A_611 = arith.select %lt3A_608, %scan3A_561, %select_n3A_604 : vector<16xi1>, vector<16xf32>
      %select_n3A_612 = arith.select %lt3A_608, %scan3A_566, %select_n3A_605 : vector<16xi1>, vector<16xi32>
      %lt3A_613 = arith.cmpf olt, %get3A_587, %scan3A_575 : vector<16xf32>
      %select_n3A_614 = arith.select %lt3A_613, %get3A_587, %scan3A_575 : vector<16xi1>, vector<16xf32>
      %select_n3A_615 = arith.select %lt3A_613, %add3A_591, %scan3A_580 : vector<16xi1>, vector<16xi32>
      %lt3A_616 = arith.cmpf olt, %select_n3A_614, %scan3A_574 : vector<16xf32>
      %select_n3A_617 = arith.select %lt3A_616, %select_n3A_614, %scan3A_574 : vector<16xi1>, vector<16xf32>
      %select_n3A_618 = arith.select %lt3A_616, %select_n3A_615, %scan3A_579 : vector<16xi1>, vector<16xi32>
      %select_n3A_619 = arith.select %lt3A_616, %scan3A_574, %select_n3A_614 : vector<16xi1>, vector<16xf32>
      %select_n3A_620 = arith.select %lt3A_616, %scan3A_579, %select_n3A_615 : vector<16xi1>, vector<16xi32>
      %lt3A_621 = arith.cmpf olt, %select_n3A_617, %scan3A_573 : vector<16xf32>
      %select_n3A_622 = arith.select %lt3A_621, %select_n3A_617, %scan3A_573 : vector<16xi1>, vector<16xf32>
      %select_n3A_623 = arith.select %lt3A_621, %select_n3A_618, %scan3A_578 : vector<16xi1>, vector<16xi32>
      %select_n3A_624 = arith.select %lt3A_621, %scan3A_573, %select_n3A_617 : vector<16xi1>, vector<16xf32>
      %select_n3A_625 = arith.select %lt3A_621, %scan3A_578, %select_n3A_618 : vector<16xi1>, vector<16xi32>
      %lt3A_626 = arith.cmpf olt, %select_n3A_622, %scan3A_572 : vector<16xf32>
      %select_n3A_627 = arith.select %lt3A_626, %select_n3A_622, %scan3A_572 : vector<16xi1>, vector<16xf32>
      %select_n3A_628 = arith.select %lt3A_626, %select_n3A_623, %scan3A_577 : vector<16xi1>, vector<16xi32>
      %select_n3A_629 = arith.select %lt3A_626, %scan3A_572, %select_n3A_622 : vector<16xi1>, vector<16xf32>
      %select_n3A_630 = arith.select %lt3A_626, %scan3A_577, %select_n3A_623 : vector<16xi1>, vector<16xi32>
      %lt3A_631 = arith.cmpf olt, %select_n3A_627, %scan3A_571 : vector<16xf32>
      %select_n3A_632 = arith.select %lt3A_631, %select_n3A_627, %scan3A_571 : vector<16xi1>, vector<16xf32>
      %select_n3A_633 = arith.select %lt3A_631, %select_n3A_628, %scan3A_576 : vector<16xi1>, vector<16xi32>
      %select_n3A_634 = arith.select %lt3A_631, %scan3A_571, %select_n3A_627 : vector<16xi1>, vector<16xf32>
      %select_n3A_635 = arith.select %lt3A_631, %scan3A_576, %select_n3A_628 : vector<16xi1>, vector<16xi32>
      scf.yield %select_n3A_609, %select_n3A_611, %select_n3A_606, %select_n3A_601, %select_n3A_596, %select_n3A_610, %select_n3A_612, %select_n3A_607, %select_n3A_602, %select_n3A_597, %select_n3A_632, %select_n3A_634, %select_n3A_629, %select_n3A_624, %select_n3A_619, %select_n3A_633, %select_n3A_635, %select_n3A_630, %select_n3A_625, %select_n3A_620 : vector<16xf32>, vector<16xf32>, vector<16xf32>, vector<16xf32>, vector<16xf32>, vector<16xi32>, vector<16xi32>, vector<16xi32>, vector<16xi32>, vector<16xi32>, vector<16xf32>, vector<16xf32>, vector<16xf32>, vector<16xf32>, vector<16xf32>, vector<16xi32>, vector<16xi32>, vector<16xi32>, vector<16xi32>, vector<16xi32>
    }
    %scan3A_359 = arith.constant 100 : i32
    %swap3A_360 = arith.constant 0 : i32
    %swap3A_361 = arith.index_cast %swap3A_360 : i32 to index
    %swap3A_362 = arith.constant 160 : index
    %swap3A_363 = tpu.vector_load %arg5[%swap3A_361, %swap3A_362] {strides = array<i32>} : memref<5x256xi32, #tpu.memory_space<vmem>>, vector<1x16xi32>,
    %swap3A_364 = vector.shape_cast %swap3A_363 : vector<1x16xi32> to vector<16xi32>
    %swap3A_365 = vector.shape_cast %scan3A_358#5 : vector<16xi32> to vector<1x16xi32>
    tpu.vector_store %arg5[%swap3A_361, %swap3A_362], %swap3A_365 {strides = array<i32>} : memref<5x256xi32, #tpu.memory_space<vmem>>, vector<1x16xi32>,
    %swap3A_366 = arith.constant 0 : i32
    %swap3A_367 = arith.index_cast %swap3A_366 : i32 to index
    %swap3A_368 = arith.constant 176 : index
    %swap3A_369 = tpu.vector_load %arg5[%swap3A_367, %swap3A_368] {strides = array<i32>} : memref<5x256xi32, #tpu.memory_space<vmem>>, vector<1x16xi32>,
    %swap3A_370 = vector.shape_cast %swap3A_369 : vector<1x16xi32> to vector<16xi32>
    %swap3A_371 = vector.shape_cast %scan3A_358#15 : vector<16xi32> to vector<1x16xi32>
    tpu.vector_store %arg5[%swap3A_367, %swap3A_368], %swap3A_371 {strides = array<i32>} : memref<5x256xi32, #tpu.memory_space<vmem>>, vector<1x16xi32>,
    %swap3A_372 = arith.constant 1 : i32
    %swap3A_373 = arith.index_cast %swap3A_372 : i32 to index
    %swap3A_374 = arith.constant 160 : index
    %swap3A_375 = tpu.vector_load %arg5[%swap3A_373, %swap3A_374] {strides = array<i32>} : memref<5x256xi32, #tpu.memory_space<vmem>>, vector<1x16xi32>,
    %swap3A_376 = vector.shape_cast %swap3A_375 : vector<1x16xi32> to vector<16xi32>
    %swap3A_377 = vector.shape_cast %scan3A_358#6 : vector<16xi32> to vector<1x16xi32>
    tpu.vector_store %arg5[%swap3A_373, %swap3A_374], %swap3A_377 {strides = array<i32>} : memref<5x256xi32, #tpu.memory_space<vmem>>, vector<1x16xi32>,
    %swap3A_378 = arith.constant 1 : i32
    %swap3A_379 = arith.index_cast %swap3A_378 : i32 to index
    %swap3A_380 = arith.constant 176 : index
    %swap3A_381 = tpu.vector_load %arg5[%swap3A_379, %swap3A_380] {strides = array<i32>} : memref<5x256xi32, #tpu.memory_space<vmem>>, vector<1x16xi32>,
    %swap3A_382 = vector.shape_cast %swap3A_381 : vector<1x16xi32> to vector<16xi32>
    %swap3A_383 = vector.shape_cast %scan3A_358#16 : vector<16xi32> to vector<1x16xi32>
    tpu.vector_store %arg5[%swap3A_379, %swap3A_380], %swap3A_383 {strides = array<i32>} : memref<5x256xi32, #tpu.memory_space<vmem>>, vector<1x16xi32>,
    %swap3A_384 = arith.constant 2 : i32
    %swap3A_385 = arith.index_cast %swap3A_384 : i32 to index
    %swap3A_386 = arith.constant 160 : index
    %swap3A_387 = tpu.vector_load %arg5[%swap3A_385, %swap3A_386] {strides = array<i32>} : memref<5x256xi32, #tpu.memory_space<vmem>>, vector<1x16xi32>,
    %swap3A_388 = vector.shape_cast %swap3A_387 : vector<1x16xi32> to vector<16xi32>
    %swap3A_389 = vector.shape_cast %scan3A_358#7 : vector<16xi32> to vector<1x16xi32>
    tpu.vector_store %arg5[%swap3A_385, %swap3A_386], %swap3A_389 {strides = array<i32>} : memref<5x256xi32, #tpu.memory_space<vmem>>, vector<1x16xi32>,
    %swap3A_390 = arith.constant 2 : i32
    %swap3A_391 = arith.index_cast %swap3A_390 : i32 to index
    %swap3A_392 = arith.constant 176 : index
    %swap3A_393 = tpu.vector_load %arg5[%swap3A_391, %swap3A_392] {strides = array<i32>} : memref<5x256xi32, #tpu.memory_space<vmem>>, vector<1x16xi32>,
    %swap3A_394 = vector.shape_cast %swap3A_393 : vector<1x16xi32> to vector<16xi32>
    %swap3A_395 = vector.shape_cast %scan3A_358#17 : vector<16xi32> to vector<1x16xi32>
    tpu.vector_store %arg5[%swap3A_391, %swap3A_392], %swap3A_395 {strides = array<i32>} : memref<5x256xi32, #tpu.memory_space<vmem>>, vector<1x16xi32>,
    %swap3A_396 = arith.constant 3 : i32
    %swap3A_397 = arith.index_cast %swap3A_396 : i32 to index
    %swap3A_398 = arith.constant 160 : index
    %swap3A_399 = tpu.vector_load %arg5[%swap3A_397, %swap3A_398] {strides = array<i32>} : memref<5x256xi32, #tpu.memory_space<vmem>>, vector<1x16xi32>,
    %swap3A_400 = vector.shape_cast %swap3A_399 : vector<1x16xi32> to vector<16xi32>
    %swap3A_401 = vector.shape_cast %scan3A_358#8 : vector<16xi32> to vector<1x16xi32>
    tpu.vector_store %arg5[%swap3A_397, %swap3A_398], %swap3A_401 {strides = array<i32>} : memref<5x256xi32, #tpu.memory_space<vmem>>, vector<1x16xi32>,
    %swap3A_402 = arith.constant 3 : i32
    %swap3A_403 = arith.index_cast %swap3A_402 : i32 to index
    %swap3A_404 = arith.constant 176 : index
    %swap3A_405 = tpu.vector_load %arg5[%swap3A_403, %swap3A_404] {strides = array<i32>} : memref<5x256xi32, #tpu.memory_space<vmem>>, vector<1x16xi32>,
    %swap3A_406 = vector.shape_cast %swap3A_405 : vector<1x16xi32> to vector<16xi32>
    %swap3A_407 = vector.shape_cast %scan3A_358#18 : vector<16xi32> to vector<1x16xi32>
    tpu.vector_store %arg5[%swap3A_403, %swap3A_404], %swap3A_407 {strides = array<i32>} : memref<5x256xi32, #tpu.memory_space<vmem>>, vector<1x16xi32>,
    %swap3A_408 = arith.constant 4 : i32
    %swap3A_409 = arith.index_cast %swap3A_408 : i32 to index
    %swap3A_410 = arith.constant 160 : index
    %swap3A_411 = tpu.vector_load %arg5[%swap3A_409, %swap3A_410] {strides = array<i32>} : memref<5x256xi32, #tpu.memory_space<vmem>>, vector<1x16xi32>,
    %swap3A_412 = vector.shape_cast %swap3A_411 : vector<1x16xi32> to vector<16xi32>
    %swap3A_413 = vector.shape_cast %scan3A_358#9 : vector<16xi32> to vector<1x16xi32>
    tpu.vector_store %arg5[%swap3A_409, %swap3A_410], %swap3A_413 {strides = array<i32>} : memref<5x256xi32, #tpu.memory_space<vmem>>, vector<1x16xi32>,
    %swap3A_414 = arith.constant 4 : i32
    %swap3A_415 = arith.index_cast %swap3A_414 : i32 to index
    %swap3A_416 = arith.constant 176 : index
    %swap3A_417 = tpu.vector_load %arg5[%swap3A_415, %swap3A_416] {strides = array<i32>} : memref<5x256xi32, #tpu.memory_space<vmem>>, vector<1x16xi32>,
    %swap3A_418 = vector.shape_cast %swap3A_417 : vector<1x16xi32> to vector<16xi32>
    %swap3A_419 = vector.shape_cast %scan3A_358#19 : vector<16xi32> to vector<1x16xi32>
    tpu.vector_store %arg5[%swap3A_415, %swap3A_416], %swap3A_419 {strides = array<i32>} : memref<5x256xi32, #tpu.memory_space<vmem>>, vector<1x16xi32>,
    %broadcast_in_dim3A_420 = arith.constant 0x7F800000 : f32
    %broadcast_in_dim3A_421 = vector.broadcast %broadcast_in_dim3A_420 : f32 to vector<16xf32>
    %broadcast_in_dim3A_422 = arith.constant 0 : i32
    %broadcast_in_dim3A_423 = vector.broadcast %broadcast_in_dim3A_422 : i32 to vector<16xi32>
    %scan3A_424 = arith.constant 0 : i32
    %scan3A_425 = arith.constant 100 : i32
    %scan3A_426 = arith.addi %scan3A_424, %scan3A_425 : i32
    %scan3A_427 = arith.constant 1 : i32
    %scan3A_428:20 = scf.for %scan3A_560 = %scan3A_424 to %scan3A_426 step %scan3A_427 iter_args(%scan3A_561 = %broadcast_in_dim3A_421, %scan3A_562 = %broadcast_in_dim3A_421, %scan3A_563 = %broadcast_in_dim3A_421, %scan3A_564 = %broadcast_in_dim3A_421, %scan3A_565 = %broadcast_in_dim3A_421, %scan3A_566 = %broadcast_in_dim3A_423, %scan3A_567 = %broadcast_in_dim3A_423, %scan3A_568 = %broadcast_in_dim3A_423, %scan3A_569 = %broadcast_in_dim3A_423, %scan3A_570 = %broadcast_in_dim3A_423, %scan3A_571 = %broadcast_in_dim3A_421, %scan3A_572 = %broadcast_in_dim3A_421, %scan3A_573 = %broadcast_in_dim3A_421, %scan3A_574 = %broadcast_in_dim3A_421, %scan3A_575 = %broadcast_in_dim3A_421, %scan3A_576 = %broadcast_in_dim3A_423, %scan3A_577 = %broadcast_in_dim3A_423, %scan3A_578 = %broadcast_in_dim3A_423, %scan3A_579 = %broadcast_in_dim3A_423, %scan3A_580 = %broadcast_in_dim3A_423) -> (vector<16xf32>, vector<16xf32>, vector<16xf32>, vector<16xf32>, vector<16xf32>, vector<16xi32>, vector<16xi32>, vector<16xi32>, vector<16xi32>, vector<16xi32>, vector<16xf32>, vector<16xf32>, vector<16xf32>, vector<16xf32>, vector<16xf32>, vector<16xi32>, vector<16xi32>, vector<16xi32>, vector<16xi32>, vector<16xi32>)  : i32 {
      %get3A = arith.index_cast %scan3A_560 : i32 to index
      %get3A_581 = arith.constant 192 : index
      %get3A_582 = tpu.vector_load %arg4[%get3A, %get3A_581] {strides = array<i32>} : memref<100x256xf32, #tpu.memory_space<vmem>>, vector<1x16xf32>,
      %get3A_583 = vector.shape_cast %get3A_582 : vector<1x16xf32> to vector<16xf32>
      %get3A_584 = arith.index_cast %scan3A_560 : i32 to index
      %get3A_585 = arith.constant 208 : index
      %get3A_586 = tpu.vector_load %arg4[%get3A_584, %get3A_585] {strides = array<i32>} : memref<100x256xf32, #tpu.memory_space<vmem>>, vector<1x16xf32>,
      %get3A_587 = vector.shape_cast %get3A_586 : vector<1x16xf32> to vector<16xf32>
      %broadcast_in_dim3A_588 = arith.constant 0 : i32
      %broadcast_in_dim3A_589 = vector.broadcast %broadcast_in_dim3A_588 : i32 to vector<16xi32>
      %add3A_590 = vector.broadcast %scan3A_560 : i32 to vector<16xi32>
      %add3A_591 = arith.addi %broadcast_in_dim3A_589, %add3A_590 : vector<16xi32>
      %lt3A = arith.cmpf olt, %get3A_583, %scan3A_565 : vector<16xf32>
      %select_n3A = arith.select %lt3A, %get3A_583, %scan3A_565 : vector<16xi1>, vector<16xf32>
      %select_n3A_592 = arith.select %lt3A, %add3A_591, %scan3A_570 : vector<16xi1>, vector<16xi32>
      %lt3A_593 = arith.cmpf olt, %select_n3A, %scan3A_564 : vector<16xf32>
      %select_n3A_594 = arith.select %lt3A_593, %select_n3A, %scan3A_564 : vector<16xi1>, vector<16xf32>
      %select_n3A_595 = arith.select %lt3A_593, %select_n3A_592, %scan3A_569 : vector<16xi1>, vector<16xi32>
      %select_n3A_596 = arith.select %lt3A_593, %scan3A_564, %select_n3A : vector<16xi1>, vector<16xf32>
      %select_n3A_597 = arith.select %lt3A_593, %scan3A_569, %select_n3A_592 : vector<16xi1>, vector<16xi32>
      %lt3A_598 = arith.cmpf olt, %select_n3A_594, %scan3A_563 : vector<16xf32>
      %select_n3A_599 = arith.select %lt3A_598, %select_n3A_594, %scan3A_563 : vector<16xi1>, vector<16xf32>
      %select_n3A_600 = arith.select %lt3A_598, %select_n3A_595, %scan3A_568 : vector<16xi1>, vector<16xi32>
      %select_n3A_601 = arith.select %lt3A_598, %scan3A_563, %select_n3A_594 : vector<16xi1>, vector<16xf32>
      %select_n3A_602 = arith.select %lt3A_598, %scan3A_568, %select_n3A_595 : vector<16xi1>, vector<16xi32>
      %lt3A_603 = arith.cmpf olt, %select_n3A_599, %scan3A_562 : vector<16xf32>
      %select_n3A_604 = arith.select %lt3A_603, %select_n3A_599, %scan3A_562 : vector<16xi1>, vector<16xf32>
      %select_n3A_605 = arith.select %lt3A_603, %select_n3A_600, %scan3A_567 : vector<16xi1>, vector<16xi32>
      %select_n3A_606 = arith.select %lt3A_603, %scan3A_562, %select_n3A_599 : vector<16xi1>, vector<16xf32>
      %select_n3A_607 = arith.select %lt3A_603, %scan3A_567, %select_n3A_600 : vector<16xi1>, vector<16xi32>
      %lt3A_608 = arith.cmpf olt, %select_n3A_604, %scan3A_561 : vector<16xf32>
      %select_n3A_609 = arith.select %lt3A_608, %select_n3A_604, %scan3A_561 : vector<16xi1>, vector<16xf32>
      %select_n3A_610 = arith.select %lt3A_608, %select_n3A_605, %scan3A_566 : vector<16xi1>, vector<16xi32>
      %select_n3A_611 = arith.select %lt3A_608, %scan3A_561, %select_n3A_604 : vector<16xi1>, vector<16xf32>
      %select_n3A_612 = arith.select %lt3A_608, %scan3A_566, %select_n3A_605 : vector<16xi1>, vector<16xi32>
      %lt3A_613 = arith.cmpf olt, %get3A_587, %scan3A_575 : vector<16xf32>
      %select_n3A_614 = arith.select %lt3A_613, %get3A_587, %scan3A_575 : vector<16xi1>, vector<16xf32>
      %select_n3A_615 = arith.select %lt3A_613, %add3A_591, %scan3A_580 : vector<16xi1>, vector<16xi32>
      %lt3A_616 = arith.cmpf olt, %select_n3A_614, %scan3A_574 : vector<16xf32>
      %select_n3A_617 = arith.select %lt3A_616, %select_n3A_614, %scan3A_574 : vector<16xi1>, vector<16xf32>
      %select_n3A_618 = arith.select %lt3A_616, %select_n3A_615, %scan3A_579 : vector<16xi1>, vector<16xi32>
      %select_n3A_619 = arith.select %lt3A_616, %scan3A_574, %select_n3A_614 : vector<16xi1>, vector<16xf32>
      %select_n3A_620 = arith.select %lt3A_616, %scan3A_579, %select_n3A_615 : vector<16xi1>, vector<16xi32>
      %lt3A_621 = arith.cmpf olt, %select_n3A_617, %scan3A_573 : vector<16xf32>
      %select_n3A_622 = arith.select %lt3A_621, %select_n3A_617, %scan3A_573 : vector<16xi1>, vector<16xf32>
      %select_n3A_623 = arith.select %lt3A_621, %select_n3A_618, %scan3A_578 : vector<16xi1>, vector<16xi32>
      %select_n3A_624 = arith.select %lt3A_621, %scan3A_573, %select_n3A_617 : vector<16xi1>, vector<16xf32>
      %select_n3A_625 = arith.select %lt3A_621, %scan3A_578, %select_n3A_618 : vector<16xi1>, vector<16xi32>
      %lt3A_626 = arith.cmpf olt, %select_n3A_622, %scan3A_572 : vector<16xf32>
      %select_n3A_627 = arith.select %lt3A_626, %select_n3A_622, %scan3A_572 : vector<16xi1>, vector<16xf32>
      %select_n3A_628 = arith.select %lt3A_626, %select_n3A_623, %scan3A_577 : vector<16xi1>, vector<16xi32>
      %select_n3A_629 = arith.select %lt3A_626, %scan3A_572, %select_n3A_622 : vector<16xi1>, vector<16xf32>
      %select_n3A_630 = arith.select %lt3A_626, %scan3A_577, %select_n3A_623 : vector<16xi1>, vector<16xi32>
      %lt3A_631 = arith.cmpf olt, %select_n3A_627, %scan3A_571 : vector<16xf32>
      %select_n3A_632 = arith.select %lt3A_631, %select_n3A_627, %scan3A_571 : vector<16xi1>, vector<16xf32>
      %select_n3A_633 = arith.select %lt3A_631, %select_n3A_628, %scan3A_576 : vector<16xi1>, vector<16xi32>
      %select_n3A_634 = arith.select %lt3A_631, %scan3A_571, %select_n3A_627 : vector<16xi1>, vector<16xf32>
      %select_n3A_635 = arith.select %lt3A_631, %scan3A_576, %select_n3A_628 : vector<16xi1>, vector<16xi32>
      scf.yield %select_n3A_609, %select_n3A_611, %select_n3A_606, %select_n3A_601, %select_n3A_596, %select_n3A_610, %select_n3A_612, %select_n3A_607, %select_n3A_602, %select_n3A_597, %select_n3A_632, %select_n3A_634, %select_n3A_629, %select_n3A_624, %select_n3A_619, %select_n3A_633, %select_n3A_635, %select_n3A_630, %select_n3A_625, %select_n3A_620 : vector<16xf32>, vector<16xf32>, vector<16xf32>, vector<16xf32>, vector<16xf32>, vector<16xi32>, vector<16xi32>, vector<16xi32>, vector<16xi32>, vector<16xi32>, vector<16xf32>, vector<16xf32>, vector<16xf32>, vector<16xf32>, vector<16xf32>, vector<16xi32>, vector<16xi32>, vector<16xi32>, vector<16xi32>, vector<16xi32>
    }
    %scan3A_429 = arith.constant 100 : i32
    %swap3A_430 = arith.constant 0 : i32
    %swap3A_431 = arith.index_cast %swap3A_430 : i32 to index
    %swap3A_432 = arith.constant 192 : index
    %swap3A_433 = tpu.vector_load %arg5[%swap3A_431, %swap3A_432] {strides = array<i32>} : memref<5x256xi32, #tpu.memory_space<vmem>>, vector<1x16xi32>,
    %swap3A_434 = vector.shape_cast %swap3A_433 : vector<1x16xi32> to vector<16xi32>
    %swap3A_435 = vector.shape_cast %scan3A_428#5 : vector<16xi32> to vector<1x16xi32>
    tpu.vector_store %arg5[%swap3A_431, %swap3A_432], %swap3A_435 {strides = array<i32>} : memref<5x256xi32, #tpu.memory_space<vmem>>, vector<1x16xi32>,
    %swap3A_436 = arith.constant 0 : i32
    %swap3A_437 = arith.index_cast %swap3A_436 : i32 to index
    %swap3A_438 = arith.constant 208 : index
    %swap3A_439 = tpu.vector_load %arg5[%swap3A_437, %swap3A_438] {strides = array<i32>} : memref<5x256xi32, #tpu.memory_space<vmem>>, vector<1x16xi32>,
    %swap3A_440 = vector.shape_cast %swap3A_439 : vector<1x16xi32> to vector<16xi32>
    %swap3A_441 = vector.shape_cast %scan3A_428#15 : vector<16xi32> to vector<1x16xi32>
    tpu.vector_store %arg5[%swap3A_437, %swap3A_438], %swap3A_441 {strides = array<i32>} : memref<5x256xi32, #tpu.memory_space<vmem>>, vector<1x16xi32>,
    %swap3A_442 = arith.constant 1 : i32
    %swap3A_443 = arith.index_cast %swap3A_442 : i32 to index
    %swap3A_444 = arith.constant 192 : index
    %swap3A_445 = tpu.vector_load %arg5[%swap3A_443, %swap3A_444] {strides = array<i32>} : memref<5x256xi32, #tpu.memory_space<vmem>>, vector<1x16xi32>,
    %swap3A_446 = vector.shape_cast %swap3A_445 : vector<1x16xi32> to vector<16xi32>
    %swap3A_447 = vector.shape_cast %scan3A_428#6 : vector<16xi32> to vector<1x16xi32>
    tpu.vector_store %arg5[%swap3A_443, %swap3A_444], %swap3A_447 {strides = array<i32>} : memref<5x256xi32, #tpu.memory_space<vmem>>, vector<1x16xi32>,
    %swap3A_448 = arith.constant 1 : i32
    %swap3A_449 = arith.index_cast %swap3A_448 : i32 to index
    %swap3A_450 = arith.constant 208 : index
    %swap3A_451 = tpu.vector_load %arg5[%swap3A_449, %swap3A_450] {strides = array<i32>} : memref<5x256xi32, #tpu.memory_space<vmem>>, vector<1x16xi32>,
    %swap3A_452 = vector.shape_cast %swap3A_451 : vector<1x16xi32> to vector<16xi32>
    %swap3A_453 = vector.shape_cast %scan3A_428#16 : vector<16xi32> to vector<1x16xi32>
    tpu.vector_store %arg5[%swap3A_449, %swap3A_450], %swap3A_453 {strides = array<i32>} : memref<5x256xi32, #tpu.memory_space<vmem>>, vector<1x16xi32>,
    %swap3A_454 = arith.constant 2 : i32
    %swap3A_455 = arith.index_cast %swap3A_454 : i32 to index
    %swap3A_456 = arith.constant 192 : index
    %swap3A_457 = tpu.vector_load %arg5[%swap3A_455, %swap3A_456] {strides = array<i32>} : memref<5x256xi32, #tpu.memory_space<vmem>>, vector<1x16xi32>,
    %swap3A_458 = vector.shape_cast %swap3A_457 : vector<1x16xi32> to vector<16xi32>
    %swap3A_459 = vector.shape_cast %scan3A_428#7 : vector<16xi32> to vector<1x16xi32>
    tpu.vector_store %arg5[%swap3A_455, %swap3A_456], %swap3A_459 {strides = array<i32>} : memref<5x256xi32, #tpu.memory_space<vmem>>, vector<1x16xi32>,
    %swap3A_460 = arith.constant 2 : i32
    %swap3A_461 = arith.index_cast %swap3A_460 : i32 to index
    %swap3A_462 = arith.constant 208 : index
    %swap3A_463 = tpu.vector_load %arg5[%swap3A_461, %swap3A_462] {strides = array<i32>} : memref<5x256xi32, #tpu.memory_space<vmem>>, vector<1x16xi32>,
    %swap3A_464 = vector.shape_cast %swap3A_463 : vector<1x16xi32> to vector<16xi32>
    %swap3A_465 = vector.shape_cast %scan3A_428#17 : vector<16xi32> to vector<1x16xi32>
    tpu.vector_store %arg5[%swap3A_461, %swap3A_462], %swap3A_465 {strides = array<i32>} : memref<5x256xi32, #tpu.memory_space<vmem>>, vector<1x16xi32>,
    %swap3A_466 = arith.constant 3 : i32
    %swap3A_467 = arith.index_cast %swap3A_466 : i32 to index
    %swap3A_468 = arith.constant 192 : index
    %swap3A_469 = tpu.vector_load %arg5[%swap3A_467, %swap3A_468] {strides = array<i32>} : memref<5x256xi32, #tpu.memory_space<vmem>>, vector<1x16xi32>,
    %swap3A_470 = vector.shape_cast %swap3A_469 : vector<1x16xi32> to vector<16xi32>
    %swap3A_471 = vector.shape_cast %scan3A_428#8 : vector<16xi32> to vector<1x16xi32>
    tpu.vector_store %arg5[%swap3A_467, %swap3A_468], %swap3A_471 {strides = array<i32>} : memref<5x256xi32, #tpu.memory_space<vmem>>, vector<1x16xi32>,
    %swap3A_472 = arith.constant 3 : i32
    %swap3A_473 = arith.index_cast %swap3A_472 : i32 to index
    %swap3A_474 = arith.constant 208 : index
    %swap3A_475 = tpu.vector_load %arg5[%swap3A_473, %swap3A_474] {strides = array<i32>} : memref<5x256xi32, #tpu.memory_space<vmem>>, vector<1x16xi32>,
    %swap3A_476 = vector.shape_cast %swap3A_475 : vector<1x16xi32> to vector<16xi32>
    %swap3A_477 = vector.shape_cast %scan3A_428#18 : vector<16xi32> to vector<1x16xi32>
    tpu.vector_store %arg5[%swap3A_473, %swap3A_474], %swap3A_477 {strides = array<i32>} : memref<5x256xi32, #tpu.memory_space<vmem>>, vector<1x16xi32>,
    %swap3A_478 = arith.constant 4 : i32
    %swap3A_479 = arith.index_cast %swap3A_478 : i32 to index
    %swap3A_480 = arith.constant 192 : index
    %swap3A_481 = tpu.vector_load %arg5[%swap3A_479, %swap3A_480] {strides = array<i32>} : memref<5x256xi32, #tpu.memory_space<vmem>>, vector<1x16xi32>,
    %swap3A_482 = vector.shape_cast %swap3A_481 : vector<1x16xi32> to vector<16xi32>
    %swap3A_483 = vector.shape_cast %scan3A_428#9 : vector<16xi32> to vector<1x16xi32>
    tpu.vector_store %arg5[%swap3A_479, %swap3A_480], %swap3A_483 {strides = array<i32>} : memref<5x256xi32, #tpu.memory_space<vmem>>, vector<1x16xi32>,
    %swap3A_484 = arith.constant 4 : i32
    %swap3A_485 = arith.index_cast %swap3A_484 : i32 to index
    %swap3A_486 = arith.constant 208 : index
    %swap3A_487 = tpu.vector_load %arg5[%swap3A_485, %swap3A_486] {strides = array<i32>} : memref<5x256xi32, #tpu.memory_space<vmem>>, vector<1x16xi32>,
    %swap3A_488 = vector.shape_cast %swap3A_487 : vector<1x16xi32> to vector<16xi32>
    %swap3A_489 = vector.shape_cast %scan3A_428#19 : vector<16xi32> to vector<1x16xi32>
    tpu.vector_store %arg5[%swap3A_485, %swap3A_486], %swap3A_489 {strides = array<i32>} : memref<5x256xi32, #tpu.memory_space<vmem>>, vector<1x16xi32>,
    %broadcast_in_dim3A_490 = arith.constant 0x7F800000 : f32
    %broadcast_in_dim3A_491 = vector.broadcast %broadcast_in_dim3A_490 : f32 to vector<16xf32>
    %broadcast_in_dim3A_492 = arith.constant 0 : i32
    %broadcast_in_dim3A_493 = vector.broadcast %broadcast_in_dim3A_492 : i32 to vector<16xi32>
    %scan3A_494 = arith.constant 0 : i32
    %scan3A_495 = arith.constant 100 : i32
    %scan3A_496 = arith.addi %scan3A_494, %scan3A_495 : i32
    %scan3A_497 = arith.constant 1 : i32
    %scan3A_498:20 = scf.for %scan3A_560 = %scan3A_494 to %scan3A_496 step %scan3A_497 iter_args(%scan3A_561 = %broadcast_in_dim3A_491, %scan3A_562 = %broadcast_in_dim3A_491, %scan3A_563 = %broadcast_in_dim3A_491, %scan3A_564 = %broadcast_in_dim3A_491, %scan3A_565 = %broadcast_in_dim3A_491, %scan3A_566 = %broadcast_in_dim3A_493, %scan3A_567 = %broadcast_in_dim3A_493, %scan3A_568 = %broadcast_in_dim3A_493, %scan3A_569 = %broadcast_in_dim3A_493, %scan3A_570 = %broadcast_in_dim3A_493, %scan3A_571 = %broadcast_in_dim3A_491, %scan3A_572 = %broadcast_in_dim3A_491, %scan3A_573 = %broadcast_in_dim3A_491, %scan3A_574 = %broadcast_in_dim3A_491, %scan3A_575 = %broadcast_in_dim3A_491, %scan3A_576 = %broadcast_in_dim3A_493, %scan3A_577 = %broadcast_in_dim3A_493, %scan3A_578 = %broadcast_in_dim3A_493, %scan3A_579 = %broadcast_in_dim3A_493, %scan3A_580 = %broadcast_in_dim3A_493) -> (vector<16xf32>, vector<16xf32>, vector<16xf32>, vector<16xf32>, vector<16xf32>, vector<16xi32>, vector<16xi32>, vector<16xi32>, vector<16xi32>, vector<16xi32>, vector<16xf32>, vector<16xf32>, vector<16xf32>, vector<16xf32>, vector<16xf32>, vector<16xi32>, vector<16xi32>, vector<16xi32>, vector<16xi32>, vector<16xi32>)  : i32 {
      %get3A = arith.index_cast %scan3A_560 : i32 to index
      %get3A_581 = arith.constant 224 : index
      %get3A_582 = tpu.vector_load %arg4[%get3A, %get3A_581] {strides = array<i32>} : memref<100x256xf32, #tpu.memory_space<vmem>>, vector<1x16xf32>,
      %get3A_583 = vector.shape_cast %get3A_582 : vector<1x16xf32> to vector<16xf32>
      %get3A_584 = arith.index_cast %scan3A_560 : i32 to index
      %get3A_585 = arith.constant 240 : index
      %get3A_586 = tpu.vector_load %arg4[%get3A_584, %get3A_585] {strides = array<i32>} : memref<100x256xf32, #tpu.memory_space<vmem>>, vector<1x16xf32>,
      %get3A_587 = vector.shape_cast %get3A_586 : vector<1x16xf32> to vector<16xf32>
      %broadcast_in_dim3A_588 = arith.constant 0 : i32
      %broadcast_in_dim3A_589 = vector.broadcast %broadcast_in_dim3A_588 : i32 to vector<16xi32>
      %add3A_590 = vector.broadcast %scan3A_560 : i32 to vector<16xi32>
      %add3A_591 = arith.addi %broadcast_in_dim3A_589, %add3A_590 : vector<16xi32>
      %lt3A = arith.cmpf olt, %get3A_583, %scan3A_565 : vector<16xf32>
      %select_n3A = arith.select %lt3A, %get3A_583, %scan3A_565 : vector<16xi1>, vector<16xf32>
      %select_n3A_592 = arith.select %lt3A, %add3A_591, %scan3A_570 : vector<16xi1>, vector<16xi32>
      %lt3A_593 = arith.cmpf olt, %select_n3A, %scan3A_564 : vector<16xf32>
      %select_n3A_594 = arith.select %lt3A_593, %select_n3A, %scan3A_564 : vector<16xi1>, vector<16xf32>
      %select_n3A_595 = arith.select %lt3A_593, %select_n3A_592, %scan3A_569 : vector<16xi1>, vector<16xi32>
      %select_n3A_596 = arith.select %lt3A_593, %scan3A_564, %select_n3A : vector<16xi1>, vector<16xf32>
      %select_n3A_597 = arith.select %lt3A_593, %scan3A_569, %select_n3A_592 : vector<16xi1>, vector<16xi32>
      %lt3A_598 = arith.cmpf olt, %select_n3A_594, %scan3A_563 : vector<16xf32>
      %select_n3A_599 = arith.select %lt3A_598, %select_n3A_594, %scan3A_563 : vector<16xi1>, vector<16xf32>
      %select_n3A_600 = arith.select %lt3A_598, %select_n3A_595, %scan3A_568 : vector<16xi1>, vector<16xi32>
      %select_n3A_601 = arith.select %lt3A_598, %scan3A_563, %select_n3A_594 : vector<16xi1>, vector<16xf32>
      %select_n3A_602 = arith.select %lt3A_598, %scan3A_568, %select_n3A_595 : vector<16xi1>, vector<16xi32>
      %lt3A_603 = arith.cmpf olt, %select_n3A_599, %scan3A_562 : vector<16xf32>
      %select_n3A_604 = arith.select %lt3A_603, %select_n3A_599, %scan3A_562 : vector<16xi1>, vector<16xf32>
      %select_n3A_605 = arith.select %lt3A_603, %select_n3A_600, %scan3A_567 : vector<16xi1>, vector<16xi32>
      %select_n3A_606 = arith.select %lt3A_603, %scan3A_562, %select_n3A_599 : vector<16xi1>, vector<16xf32>
      %select_n3A_607 = arith.select %lt3A_603, %scan3A_567, %select_n3A_600 : vector<16xi1>, vector<16xi32>
      %lt3A_608 = arith.cmpf olt, %select_n3A_604, %scan3A_561 : vector<16xf32>
      %select_n3A_609 = arith.select %lt3A_608, %select_n3A_604, %scan3A_561 : vector<16xi1>, vector<16xf32>
      %select_n3A_610 = arith.select %lt3A_608, %select_n3A_605, %scan3A_566 : vector<16xi1>, vector<16xi32>
      %select_n3A_611 = arith.select %lt3A_608, %scan3A_561, %select_n3A_604 : vector<16xi1>, vector<16xf32>
      %select_n3A_612 = arith.select %lt3A_608, %scan3A_566, %select_n3A_605 : vector<16xi1>, vector<16xi32>
      %lt3A_613 = arith.cmpf olt, %get3A_587, %scan3A_575 : vector<16xf32>
      %select_n3A_614 = arith.select %lt3A_613, %get3A_587, %scan3A_575 : vector<16xi1>, vector<16xf32>
      %select_n3A_615 = arith.select %lt3A_613, %add3A_591, %scan3A_580 : vector<16xi1>, vector<16xi32>
      %lt3A_616 = arith.cmpf olt, %select_n3A_614, %scan3A_574 : vector<16xf32>
      %select_n3A_617 = arith.select %lt3A_616, %select_n3A_614, %scan3A_574 : vector<16xi1>, vector<16xf32>
      %select_n3A_618 = arith.select %lt3A_616, %select_n3A_615, %scan3A_579 : vector<16xi1>, vector<16xi32>
      %select_n3A_619 = arith.select %lt3A_616, %scan3A_574, %select_n3A_614 : vector<16xi1>, vector<16xf32>
      %select_n3A_620 = arith.select %lt3A_616, %scan3A_579, %select_n3A_615 : vector<16xi1>, vector<16xi32>
      %lt3A_621 = arith.cmpf olt, %select_n3A_617, %scan3A_573 : vector<16xf32>
      %select_n3A_622 = arith.select %lt3A_621, %select_n3A_617, %scan3A_573 : vector<16xi1>, vector<16xf32>
      %select_n3A_623 = arith.select %lt3A_621, %select_n3A_618, %scan3A_578 : vector<16xi1>, vector<16xi32>
      %select_n3A_624 = arith.select %lt3A_621, %scan3A_573, %select_n3A_617 : vector<16xi1>, vector<16xf32>
      %select_n3A_625 = arith.select %lt3A_621, %scan3A_578, %select_n3A_618 : vector<16xi1>, vector<16xi32>
      %lt3A_626 = arith.cmpf olt, %select_n3A_622, %scan3A_572 : vector<16xf32>
      %select_n3A_627 = arith.select %lt3A_626, %select_n3A_622, %scan3A_572 : vector<16xi1>, vector<16xf32>
      %select_n3A_628 = arith.select %lt3A_626, %select_n3A_623, %scan3A_577 : vector<16xi1>, vector<16xi32>
      %select_n3A_629 = arith.select %lt3A_626, %scan3A_572, %select_n3A_622 : vector<16xi1>, vector<16xf32>
      %select_n3A_630 = arith.select %lt3A_626, %scan3A_577, %select_n3A_623 : vector<16xi1>, vector<16xi32>
      %lt3A_631 = arith.cmpf olt, %select_n3A_627, %scan3A_571 : vector<16xf32>
      %select_n3A_632 = arith.select %lt3A_631, %select_n3A_627, %scan3A_571 : vector<16xi1>, vector<16xf32>
      %select_n3A_633 = arith.select %lt3A_631, %select_n3A_628, %scan3A_576 : vector<16xi1>, vector<16xi32>
      %select_n3A_634 = arith.select %lt3A_631, %scan3A_571, %select_n3A_627 : vector<16xi1>, vector<16xf32>
      %select_n3A_635 = arith.select %lt3A_631, %scan3A_576, %select_n3A_628 : vector<16xi1>, vector<16xi32>
      scf.yield %select_n3A_609, %select_n3A_611, %select_n3A_606, %select_n3A_601, %select_n3A_596, %select_n3A_610, %select_n3A_612, %select_n3A_607, %select_n3A_602, %select_n3A_597, %select_n3A_632, %select_n3A_634, %select_n3A_629, %select_n3A_624, %select_n3A_619, %select_n3A_633, %select_n3A_635, %select_n3A_630, %select_n3A_625, %select_n3A_620 : vector<16xf32>, vector<16xf32>, vector<16xf32>, vector<16xf32>, vector<16xf32>, vector<16xi32>, vector<16xi32>, vector<16xi32>, vector<16xi32>, vector<16xi32>, vector<16xf32>, vector<16xf32>, vector<16xf32>, vector<16xf32>, vector<16xf32>, vector<16xi32>, vector<16xi32>, vector<16xi32>, vector<16xi32>, vector<16xi32>
    }
    %scan3A_499 = arith.constant 100 : i32
    %swap3A_500 = arith.constant 0 : i32
    %swap3A_501 = arith.index_cast %swap3A_500 : i32 to index
    %swap3A_502 = arith.constant 224 : index
    %swap3A_503 = tpu.vector_load %arg5[%swap3A_501, %swap3A_502] {strides = array<i32>} : memref<5x256xi32, #tpu.memory_space<vmem>>, vector<1x16xi32>,
    %swap3A_504 = vector.shape_cast %swap3A_503 : vector<1x16xi32> to vector<16xi32>
    %swap3A_505 = vector.shape_cast %scan3A_498#5 : vector<16xi32> to vector<1x16xi32>
    tpu.vector_store %arg5[%swap3A_501, %swap3A_502], %swap3A_505 {strides = array<i32>} : memref<5x256xi32, #tpu.memory_space<vmem>>, vector<1x16xi32>,
    %swap3A_506 = arith.constant 0 : i32
    %swap3A_507 = arith.index_cast %swap3A_506 : i32 to index
    %swap3A_508 = arith.constant 240 : index
    %swap3A_509 = tpu.vector_load %arg5[%swap3A_507, %swap3A_508] {strides = array<i32>} : memref<5x256xi32, #tpu.memory_space<vmem>>, vector<1x16xi32>,
    %swap3A_510 = vector.shape_cast %swap3A_509 : vector<1x16xi32> to vector<16xi32>
    %swap3A_511 = vector.shape_cast %scan3A_498#15 : vector<16xi32> to vector<1x16xi32>
    tpu.vector_store %arg5[%swap3A_507, %swap3A_508], %swap3A_511 {strides = array<i32>} : memref<5x256xi32, #tpu.memory_space<vmem>>, vector<1x16xi32>,
    %swap3A_512 = arith.constant 1 : i32
    %swap3A_513 = arith.index_cast %swap3A_512 : i32 to index
    %swap3A_514 = arith.constant 224 : index
    %swap3A_515 = tpu.vector_load %arg5[%swap3A_513, %swap3A_514] {strides = array<i32>} : memref<5x256xi32, #tpu.memory_space<vmem>>, vector<1x16xi32>,
    %swap3A_516 = vector.shape_cast %swap3A_515 : vector<1x16xi32> to vector<16xi32>
    %swap3A_517 = vector.shape_cast %scan3A_498#6 : vector<16xi32> to vector<1x16xi32>
    tpu.vector_store %arg5[%swap3A_513, %swap3A_514], %swap3A_517 {strides = array<i32>} : memref<5x256xi32, #tpu.memory_space<vmem>>, vector<1x16xi32>,
    %swap3A_518 = arith.constant 1 : i32
    %swap3A_519 = arith.index_cast %swap3A_518 : i32 to index
    %swap3A_520 = arith.constant 240 : index
    %swap3A_521 = tpu.vector_load %arg5[%swap3A_519, %swap3A_520] {strides = array<i32>} : memref<5x256xi32, #tpu.memory_space<vmem>>, vector<1x16xi32>,
    %swap3A_522 = vector.shape_cast %swap3A_521 : vector<1x16xi32> to vector<16xi32>
    %swap3A_523 = vector.shape_cast %scan3A_498#16 : vector<16xi32> to vector<1x16xi32>
    tpu.vector_store %arg5[%swap3A_519, %swap3A_520], %swap3A_523 {strides = array<i32>} : memref<5x256xi32, #tpu.memory_space<vmem>>, vector<1x16xi32>,
    %swap3A_524 = arith.constant 2 : i32
    %swap3A_525 = arith.index_cast %swap3A_524 : i32 to index
    %swap3A_526 = arith.constant 224 : index
    %swap3A_527 = tpu.vector_load %arg5[%swap3A_525, %swap3A_526] {strides = array<i32>} : memref<5x256xi32, #tpu.memory_space<vmem>>, vector<1x16xi32>,
    %swap3A_528 = vector.shape_cast %swap3A_527 : vector<1x16xi32> to vector<16xi32>
    %swap3A_529 = vector.shape_cast %scan3A_498#7 : vector<16xi32> to vector<1x16xi32>
    tpu.vector_store %arg5[%swap3A_525, %swap3A_526], %swap3A_529 {strides = array<i32>} : memref<5x256xi32, #tpu.memory_space<vmem>>, vector<1x16xi32>,
    %swap3A_530 = arith.constant 2 : i32
    %swap3A_531 = arith.index_cast %swap3A_530 : i32 to index
    %swap3A_532 = arith.constant 240 : index
    %swap3A_533 = tpu.vector_load %arg5[%swap3A_531, %swap3A_532] {strides = array<i32>} : memref<5x256xi32, #tpu.memory_space<vmem>>, vector<1x16xi32>,
    %swap3A_534 = vector.shape_cast %swap3A_533 : vector<1x16xi32> to vector<16xi32>
    %swap3A_535 = vector.shape_cast %scan3A_498#17 : vector<16xi32> to vector<1x16xi32>
    tpu.vector_store %arg5[%swap3A_531, %swap3A_532], %swap3A_535 {strides = array<i32>} : memref<5x256xi32, #tpu.memory_space<vmem>>, vector<1x16xi32>,
    %swap3A_536 = arith.constant 3 : i32
    %swap3A_537 = arith.index_cast %swap3A_536 : i32 to index
    %swap3A_538 = arith.constant 224 : index
    %swap3A_539 = tpu.vector_load %arg5[%swap3A_537, %swap3A_538] {strides = array<i32>} : memref<5x256xi32, #tpu.memory_space<vmem>>, vector<1x16xi32>,
    %swap3A_540 = vector.shape_cast %swap3A_539 : vector<1x16xi32> to vector<16xi32>
    %swap3A_541 = vector.shape_cast %scan3A_498#8 : vector<16xi32> to vector<1x16xi32>
    tpu.vector_store %arg5[%swap3A_537, %swap3A_538], %swap3A_541 {strides = array<i32>} : memref<5x256xi32, #tpu.memory_space<vmem>>, vector<1x16xi32>,
    %swap3A_542 = arith.constant 3 : i32
    %swap3A_543 = arith.index_cast %swap3A_542 : i32 to index
    %swap3A_544 = arith.constant 240 : index
    %swap3A_545 = tpu.vector_load %arg5[%swap3A_543, %swap3A_544] {strides = array<i32>} : memref<5x256xi32, #tpu.memory_space<vmem>>, vector<1x16xi32>,
    %swap3A_546 = vector.shape_cast %swap3A_545 : vector<1x16xi32> to vector<16xi32>
    %swap3A_547 = vector.shape_cast %scan3A_498#18 : vector<16xi32> to vector<1x16xi32>
    tpu.vector_store %arg5[%swap3A_543, %swap3A_544], %swap3A_547 {strides = array<i32>} : memref<5x256xi32, #tpu.memory_space<vmem>>, vector<1x16xi32>,
    %swap3A_548 = arith.constant 4 : i32
    %swap3A_549 = arith.index_cast %swap3A_548 : i32 to index
    %swap3A_550 = arith.constant 224 : index
    %swap3A_551 = tpu.vector_load %arg5[%swap3A_549, %swap3A_550] {strides = array<i32>} : memref<5x256xi32, #tpu.memory_space<vmem>>, vector<1x16xi32>,
    %swap3A_552 = vector.shape_cast %swap3A_551 : vector<1x16xi32> to vector<16xi32>
    %swap3A_553 = vector.shape_cast %scan3A_498#9 : vector<16xi32> to vector<1x16xi32>
    tpu.vector_store %arg5[%swap3A_549, %swap3A_550], %swap3A_553 {strides = array<i32>} : memref<5x256xi32, #tpu.memory_space<vmem>>, vector<1x16xi32>,
    %swap3A_554 = arith.constant 4 : i32
    %swap3A_555 = arith.index_cast %swap3A_554 : i32 to index
    %swap3A_556 = arith.constant 240 : index
    %swap3A_557 = tpu.vector_load %arg5[%swap3A_555, %swap3A_556] {strides = array<i32>} : memref<5x256xi32, #tpu.memory_space<vmem>>, vector<1x16xi32>,
    %swap3A_558 = vector.shape_cast %swap3A_557 : vector<1x16xi32> to vector<16xi32>
    %swap3A_559 = vector.shape_cast %scan3A_498#19 : vector<16xi32> to vector<1x16xi32>
    tpu.vector_store %arg5[%swap3A_555, %swap3A_556], %swap3A_559 {strides = array<i32>} : memref<5x256xi32, #tpu.memory_space<vmem>>, vector<1x16xi32>,
    "tpu.region"() ({
      %run_scoped3A = tpu.sem_alloc : memref<!tpu.dma_semaphore, #tpu.memory_space<semaphore_mem>>
      %dma_start3A = arith.constant 0 : i32
      %dma_start3A_560 = tpu.memref_slice %arg3[%dma_start3A, %mul3A_2] : memref<5x8192xi32, #tpu.memory_space<hbm>> -> memref<5x256xi32, #tpu.memory_space<hbm>>
      %dma_start3A_561 = arith.constant 0 : i32
      %dma_start3A_562 = tpu.memref_slice %arg3[%dma_start3A_561, %mul3A_2] : memref<5x8192xi32, #tpu.memory_space<hbm>> -> memref<5x256xi32, #tpu.memory_space<hbm>>
      tpu.enqueue_dma source(%arg5 : memref<5x256xi32, #tpu.memory_space<vmem>>) target(%dma_start3A_562 : memref<5x256xi32, #tpu.memory_space<hbm>>) target_semaphore(%run_scoped3A : memref<!tpu.dma_semaphore, #tpu.memory_space<semaphore_mem>>)
      %dma_wait3A = arith.constant 0 : i32
      %dma_wait3A_563 = tpu.memref_slice %arg3[%dma_wait3A, %mul3A_2] : memref<5x8192xi32, #tpu.memory_space<hbm>> -> memref<5x256xi32, #tpu.memory_space<hbm>>
      %dma_wait3A_564 = arith.constant 0 : i32
      %dma_wait3A_565 = tpu.memref_slice %arg3[%dma_wait3A_564, %mul3A_2] : memref<5x8192xi32, #tpu.memory_space<hbm>> -> memref<5x256xi32, #tpu.memory_space<hbm>>
      tpu.wait_dma2 semaphore(%run_scoped3A : memref<!tpu.dma_semaphore, #tpu.memory_space<semaphore_mem>>) src(%arg5 : memref<5x256xi32, #tpu.memory_space<vmem>>) dst(%dma_wait3A_565 : memref<5x256xi32, #tpu.memory_space<hbm>>)
      tpu.yield
    }) : () -> ()
    return
  }
}

module attributes {stable_mosaic.version = 14 : i64} {
  func.func @_scores_body(%arg0: i32, %arg1: memref<2048x128xf32, #tpu.memory_space<vmem>>, %arg2: memref<100x128xf32, #tpu.memory_space<vmem>>, %arg3: memref<100x1xf32, #tpu.memory_space<vmem>>, %arg4: memref<100x2048xf32, #tpu.memory_space<vmem>>) attributes {dimension_semantics = [#tpu.dimension_semantics<arbitrary>], iteration_bounds = array<i64: 4>, scalar_prefetch = 0 : i64, scratch_operands = 0 : i64, tpu.core_type = #tpu.core_type<tc>, window_params = [{transform_indices = @transform_0, window_bounds = array<i64: 2048, 128>}, {pipeline_mode = #tpu.pipeline_mode<synchronous>, transform_indices = @transform_1, window_bounds = array<i64: 100, 128>}, {pipeline_mode = #tpu.pipeline_mode<synchronous>, transform_indices = @transform_2, window_bounds = array<i64: 100, 1>}, {transform_indices = @transform_3, window_bounds = array<i64: 100, 2048>}]} {
    %get3A = arith.constant 0 : index
    %get3A_0 = arith.constant 0 : index
    %get3A_1 = vector.load %arg1[%get3A, %get3A_0] : memref<2048x128xf32, #tpu.memory_space<vmem>>, vector<2048x128xf32>
    %get3A_2 = arith.constant 0 : index
    %get3A_3 = arith.constant 0 : index
    %get3A_4 = vector.load %arg2[%get3A_2, %get3A_3] : memref<100x128xf32, #tpu.memory_space<vmem>>, vector<100x128xf32>
    %dot_general3A = arith.constant dense<0.000000e+00> : vector<100x2048xf32>
    %dot_general3A_5 = tpu.matmul %get3A_4, %get3A_1, %dot_general3A {dimension_numbers = #tpu.dot_dimension_numbers<[1], [1], [0], [0], [0, 0, 1, 0], [], []>, precision = #tpu.contract_precision<fp32>, transpose_lhs_hint = false} : vector<100x128xf32>, vector<2048x128xf32>, vector<100x2048xf32> -> vector<100x2048xf32>
    %get3A_6 = arith.constant 0 : index
    %get3A_7 = arith.constant 0 : index
    %get3A_8 = vector.load %arg3[%get3A_6, %get3A_7] : memref<100x1xf32, #tpu.memory_space<vmem>>, vector<100x1xf32>
    %mul3A = arith.constant 2.000000e+00 : f32
    %mul3A_9 = vector.broadcast %mul3A : f32 to vector<100x2048xf32>
    %mul3A_10 = arith.mulf %mul3A_9, %dot_general3A_5 : vector<100x2048xf32>
    %sub3A = vector.broadcast %get3A_8 : vector<100x1xf32> to vector<100x2048xf32>
    %sub3A_11 = arith.subf %sub3A, %mul3A_10 : vector<100x2048xf32>
    %swap3A = arith.constant 0 : index
    %swap3A_12 = arith.constant 0 : index
    %swap3A_13 = vector.load %arg4[%swap3A, %swap3A_12] : memref<100x2048xf32, #tpu.memory_space<vmem>>, vector<100x2048xf32>
    tpu.vector_store %arg4[%swap3A, %swap3A_12], %sub3A_11 {strides = array<i32>} : memref<100x2048xf32, #tpu.memory_space<vmem>>, vector<100x2048xf32>,
    return
  }
  func.func @transform_0(%arg0: i32) -> (i32, i32) {
    %c0_i32 = arith.constant 0 : i32
    %c0_i32_0 = arith.constant 0 : i32
    return %arg0, %c0_i32 : i32, i32
  }
  func.func @transform_1(%arg0: i32) -> (i32, i32) {
    %c0_i32 = arith.constant 0 : i32
    %c0_i32_0 = arith.constant 0 : i32
    %c0_i32_1 = arith.constant 0 : i32
    return %c0_i32, %c0_i32_0 : i32, i32
  }
  func.func @transform_2(%arg0: i32) -> (i32, i32) {
    %c0_i32 = arith.constant 0 : i32
    %c0_i32_0 = arith.constant 0 : i32
    %c0_i32_1 = arith.constant 0 : i32
    return %c0_i32, %c0_i32_0 : i32, i32
  }
  func.func @transform_3(%arg0: i32) -> (i32, i32) {
    %c0_i32 = arith.constant 0 : i32
    %c0_i32_0 = arith.constant 0 : i32
    return %c0_i32, %arg0 : i32, i32
  }
}

module attributes {stable_mosaic.version = 14 : i64} {
  func.func @_knn_fused_body(%arg0: i32, %arg1: memref<2048x128xf32, #tpu.memory_space<vmem>>, %arg2: memref<100x128xf32, #tpu.memory_space<vmem>>, %arg3: memref<1x128xf32, #tpu.memory_space<vmem>>, %arg4: memref<2048x5xi32, #tpu.memory_space<vmem>>) attributes {dimension_semantics = [#tpu.dimension_semantics<arbitrary>], iteration_bounds = array<i64: 4>, scalar_prefetch = 0 : i64, scratch_operands = 0 : i64, tpu.core_type = #tpu.core_type<tc>, window_params = [{transform_indices = @transform_0, window_bounds = array<i64: 2048, 128>}, {pipeline_mode = #tpu.pipeline_mode<synchronous>, transform_indices = @transform_1, window_bounds = array<i64: 100, 128>}, {pipeline_mode = #tpu.pipeline_mode<synchronous>, transform_indices = @transform_2, window_bounds = array<i64: 1, 128>}, {transform_indices = @transform_3, window_bounds = array<i64: 2048, 5>}]} {
    %get3A = arith.constant 0 : index
    %get3A_0 = arith.constant 0 : index
    %get3A_1 = vector.load %arg1[%get3A, %get3A_0] : memref<2048x128xf32, #tpu.memory_space<vmem>>, vector<2048x128xf32>
    %get3A_2 = arith.constant 0 : index
    %get3A_3 = arith.constant 0 : index
    %get3A_4 = vector.load %arg2[%get3A_2, %get3A_3] : memref<100x128xf32, #tpu.memory_space<vmem>>, vector<100x128xf32>
    %dot_general3A = arith.constant dense<0.000000e+00> : vector<2048x100xf32>
    %dot_general3A_5 = tpu.matmul %get3A_1, %get3A_4, %dot_general3A {dimension_numbers = #tpu.dot_dimension_numbers<[1], [1], [0], [0], [0, 0, 1, 0], [], []>, precision = #tpu.contract_precision<fp32>, transpose_lhs_hint = false} : vector<2048x128xf32>, vector<100x128xf32>, vector<2048x100xf32> -> vector<2048x100xf32>
    %iota3A = tpu.iota {dimensions = array<i32: 1>} : vector<2048x128xi32>
    %convert_element_type3A = arith.sitofp %iota3A : vector<2048x128xi32> to vector<2048x128xf32>
    %jit3A = arith.constant 0 : i32
    %convert_element_type3A_6 = arith.sitofp %jit3A : i32 to f32
    %pad3A = vector.broadcast %convert_element_type3A_6 : f32 to vector<2048x28xf32>
    %pad3A_7 = tpu.concatenate %dot_general3A_5, %pad3A in 1 : vector<2048x100xf32>, vector<2048x28xf32> -> vector<2048x128xf32>
    %lt3A = arith.constant 1.000000e+02 : f32
    %lt3A_8 = vector.broadcast %lt3A : f32 to vector<2048x128xf32>
    %lt3A_9 = arith.cmpf olt, %convert_element_type3A, %lt3A_8 : vector<2048x128xf32>
    %get3A_10 = arith.constant 0 : index
    %get3A_11 = arith.constant 0 : index
    %get3A_12 = vector.load %arg3[%get3A_10, %get3A_11] : memref<1x128xf32, #tpu.memory_space<vmem>>, vector<1x128xf32>
    %mul3A = arith.constant 2.000000e+00 : f32
    %mul3A_13 = vector.broadcast %mul3A : f32 to vector<2048x128xf32>
    %mul3A_14 = arith.mulf %mul3A_13, %pad3A_7 : vector<2048x128xf32>
    %sub3A = vector.broadcast %get3A_12 : vector<1x128xf32> to vector<2048x128xf32>
    %sub3A_15 = arith.subf %sub3A, %mul3A_14 : vector<2048x128xf32>
    %jit3A_16 = arith.constant 3.000000e+38 : f32
    %broadcast_in_dim3A = vector.broadcast %jit3A_16 : f32 to vector<2048x128xf32>
    %select_n3A = arith.select %lt3A_9, %sub3A_15, %broadcast_in_dim3A : vector<2048x128xi1>, vector<2048x128xf32>
    %reduce_min3A = arith.constant dense<0x7F800000> : vector<2048xf32>
    %reduce_min3A_17 = vector.multi_reduction <minimumf>, %select_n3A, %reduce_min3A [1] : vector<2048x128xf32> to vector<2048xf32>
    %broadcast_in_dim3A_18 = vector.shape_cast %reduce_min3A_17 : vector<2048xf32> to vector<2048x1xf32>
    %eq3A = vector.broadcast %broadcast_in_dim3A_18 : vector<2048x1xf32> to vector<2048x128xf32>
    %eq3A_19 = arith.cmpf oeq, %select_n3A, %eq3A : vector<2048x128xf32>
    %jit3A_20 = arith.constant 3.000000e+38 : f32
    %broadcast_in_dim3A_21 = vector.broadcast %jit3A_20 : f32 to vector<2048x128xf32>
    %select_n3A_22 = arith.select %eq3A_19, %convert_element_type3A, %broadcast_in_dim3A_21 : vector<2048x128xi1>, vector<2048x128xf32>
    %reduce_min3A_23 = arith.constant dense<0x7F800000> : vector<2048xf32>
    %reduce_min3A_24 = vector.multi_reduction <minimumf>, %select_n3A_22, %reduce_min3A_23 [1] : vector<2048x128xf32> to vector<2048xf32>
    %jit3A_25 = arith.constant 0x7F800000 : f32
    %broadcast_in_dim3A_26 = vector.broadcast %jit3A_25 : f32 to vector<2048x128xf32>
    %select_n3A_27 = arith.select %eq3A_19, %broadcast_in_dim3A_26, %select_n3A : vector<2048x128xi1>, vector<2048x128xf32>
    %reduce_min3A_28 = arith.constant dense<0x7F800000> : vector<2048xf32>
    %reduce_min3A_29 = vector.multi_reduction <minimumf>, %select_n3A_27, %reduce_min3A_28 [1] : vector<2048x128xf32> to vector<2048xf32>
    %broadcast_in_dim3A_30 = vector.shape_cast %reduce_min3A_29 : vector<2048xf32> to vector<2048x1xf32>
    %eq3A_31 = vector.broadcast %broadcast_in_dim3A_30 : vector<2048x1xf32> to vector<2048x128xf32>
    %eq3A_32 = arith.cmpf oeq, %select_n3A_27, %eq3A_31 : vector<2048x128xf32>
    %jit3A_33 = arith.constant 3.000000e+38 : f32
    %broadcast_in_dim3A_34 = vector.broadcast %jit3A_33 : f32 to vector<2048x128xf32>
    %select_n3A_35 = arith.select %eq3A_32, %convert_element_type3A, %broadcast_in_dim3A_34 : vector<2048x128xi1>, vector<2048x128xf32>
    %reduce_min3A_36 = arith.constant dense<0x7F800000> : vector<2048xf32>
    %reduce_min3A_37 = vector.multi_reduction <minimumf>, %select_n3A_35, %reduce_min3A_36 [1] : vector<2048x128xf32> to vector<2048xf32>
    %jit3A_38 = arith.constant 0x7F800000 : f32
    %broadcast_in_dim3A_39 = vector.broadcast %jit3A_38 : f32 to vector<2048x128xf32>
    %select_n3A_40 = arith.select %eq3A_32, %broadcast_in_dim3A_39, %select_n3A_27 : vector<2048x128xi1>, vector<2048x128xf32>
    %reduce_min3A_41 = arith.constant dense<0x7F800000> : vector<2048xf32>
    %reduce_min3A_42 = vector.multi_reduction <minimumf>, %select_n3A_40, %reduce_min3A_41 [1] : vector<2048x128xf32> to vector<2048xf32>
    %broadcast_in_dim3A_43 = vector.shape_cast %reduce_min3A_42 : vector<2048xf32> to vector<2048x1xf32>
    %eq3A_44 = vector.broadcast %broadcast_in_dim3A_43 : vector<2048x1xf32> to vector<2048x128xf32>
    %eq3A_45 = arith.cmpf oeq, %select_n3A_40, %eq3A_44 : vector<2048x128xf32>
    %jit3A_46 = arith.constant 3.000000e+38 : f32
    %broadcast_in_dim3A_47 = vector.broadcast %jit3A_46 : f32 to vector<2048x128xf32>
    %select_n3A_48 = arith.select %eq3A_45, %convert_element_type3A, %broadcast_in_dim3A_47 : vector<2048x128xi1>, vector<2048x128xf32>
    %reduce_min3A_49 = arith.constant dense<0x7F800000> : vector<2048xf32>
    %reduce_min3A_50 = vector.multi_reduction <minimumf>, %select_n3A_48, %reduce_min3A_49 [1] : vector<2048x128xf32> to vector<2048xf32>
    %jit3A_51 = arith.constant 0x7F800000 : f32
    %broadcast_in_dim3A_52 = vector.broadcast %jit3A_51 : f32 to vector<2048x128xf32>
    %select_n3A_53 = arith.select %eq3A_45, %broadcast_in_dim3A_52, %select_n3A_40 : vector<2048x128xi1>, vector<2048x128xf32>
    %reduce_min3A_54 = arith.constant dense<0x7F800000> : vector<2048xf32>
    %reduce_min3A_55 = vector.multi_reduction <minimumf>, %select_n3A_53, %reduce_min3A_54 [1] : vector<2048x128xf32> to vector<2048xf32>
    %broadcast_in_dim3A_56 = vector.shape_cast %reduce_min3A_55 : vector<2048xf32> to vector<2048x1xf32>
    %eq3A_57 = vector.broadcast %broadcast_in_dim3A_56 : vector<2048x1xf32> to vector<2048x128xf32>
    %eq3A_58 = arith.cmpf oeq, %select_n3A_53, %eq3A_57 : vector<2048x128xf32>
    %jit3A_59 = arith.constant 3.000000e+38 : f32
    %broadcast_in_dim3A_60 = vector.broadcast %jit3A_59 : f32 to vector<2048x128xf32>
    %select_n3A_61 = arith.select %eq3A_58, %convert_element_type3A, %broadcast_in_dim3A_60 : vector<2048x128xi1>, vector<2048x128xf32>
    %reduce_min3A_62 = arith.constant dense<0x7F800000> : vector<2048xf32>
    %reduce_min3A_63 = vector.multi_reduction <minimumf>, %select_n3A_61, %reduce_min3A_62 [1] : vector<2048x128xf32> to vector<2048xf32>
    %jit3A_64 = arith.constant 0x7F800000 : f32
    %broadcast_in_dim3A_65 = vector.broadcast %jit3A_64 : f32 to vector<2048x128xf32>
    %select_n3A_66 = arith.select %eq3A_58, %broadcast_in_dim3A_65, %select_n3A_53 : vector<2048x128xi1>, vector<2048x128xf32>
    %reduce_min3A_67 = arith.constant dense<0x7F800000> : vector<2048xf32>
    %reduce_min3A_68 = vector.multi_reduction <minimumf>, %select_n3A_66, %reduce_min3A_67 [1] : vector<2048x128xf32> to vector<2048xf32>
    %broadcast_in_dim3A_69 = vector.shape_cast %reduce_min3A_68 : vector<2048xf32> to vector<2048x1xf32>
    %eq3A_70 = vector.broadcast %broadcast_in_dim3A_69 : vector<2048x1xf32> to vector<2048x128xf32>
    %eq3A_71 = arith.cmpf oeq, %select_n3A_66, %eq3A_70 : vector<2048x128xf32>
    %jit3A_72 = arith.constant 3.000000e+38 : f32
    %broadcast_in_dim3A_73 = vector.broadcast %jit3A_72 : f32 to vector<2048x128xf32>
    %select_n3A_74 = arith.select %eq3A_71, %convert_element_type3A, %broadcast_in_dim3A_73 : vector<2048x128xi1>, vector<2048x128xf32>
    %reduce_min3A_75 = arith.constant dense<0x7F800000> : vector<2048xf32>
    %reduce_min3A_76 = vector.multi_reduction <minimumf>, %select_n3A_74, %reduce_min3A_75 [1] : vector<2048x128xf32> to vector<2048xf32>
    %stack3A = vector.shape_cast %reduce_min3A_24 : vector<2048xf32> to vector<2048x1xf32>
    %stack3A_77 = vector.shape_cast %reduce_min3A_37 : vector<2048xf32> to vector<2048x1xf32>
    %stack3A_78 = vector.shape_cast %reduce_min3A_50 : vector<2048xf32> to vector<2048x1xf32>
    %stack3A_79 = vector.shape_cast %reduce_min3A_63 : vector<2048xf32> to vector<2048x1xf32>
    %stack3A_80 = vector.shape_cast %reduce_min3A_76 : vector<2048xf32> to vector<2048x1xf32>
    %stack3A_81 = tpu.concatenate %stack3A, %stack3A_77, %stack3A_78, %stack3A_79, %stack3A_80 in 1 : vector<2048x1xf32>, vector<2048x1xf32>, vector<2048x1xf32>, vector<2048x1xf32>, vector<2048x1xf32> -> vector<2048x5xf32>
    %convert_element_type3A_82 = arith.fptosi %stack3A_81 : vector<2048x5xf32> to vector<2048x5xi32>
    %swap3A = arith.constant 0 : index
    %swap3A_83 = arith.constant 0 : index
    %swap3A_84 = vector.load %arg4[%swap3A, %swap3A_83] : memref<2048x5xi32, #tpu.memory_space<vmem>>, vector<2048x5xi32>
    tpu.vector_store %arg4[%swap3A, %swap3A_83], %convert_element_type3A_82 {strides = array<i32>} : memref<2048x5xi32, #tpu.memory_space<vmem>>, vector<2048x5xi32>,
    return
  }
  func.func @transform_0(%arg0: i32) -> (i32, i32) {
    %add3A = arith.constant 4 : i32
    %add3A_0 = arith.addi %arg0, %add3A : i32
    %c0_i32 = arith.constant 0 : i32
    %c0_i32_1 = arith.constant 0 : i32
    return %add3A_0, %c0_i32 : i32, i32
  }
  func.func @transform_1(%arg0: i32) -> (i32, i32) {
    %c0_i32 = arith.constant 0 : i32
    %c0_i32_0 = arith.constant 0 : i32
    %c0_i32_1 = arith.constant 0 : i32
    return %c0_i32, %c0_i32_0 : i32, i32
  }
  func.func @transform_2(%arg0: i32) -> (i32, i32) {
    %c0_i32 = arith.constant 0 : i32
    %c0_i32_0 = arith.constant 0 : i32
    %c0_i32_1 = arith.constant 0 : i32
    return %c0_i32, %c0_i32_0 : i32, i32
  }
  func.func @transform_3(%arg0: i32) -> (i32, i32) {
    %c0_i32 = arith.constant 0 : i32
    %c0_i32_0 = arith.constant 0 : i32
    return %arg0, %c0_i32 : i32, i32
  }
}

</mosaic_0001>

<sc_bundles>
// kernel: kernel.5.cloned.1.call-start
scs
__scs_entry_jumppad:
0x0: {  	(pc) =	sbr.rel $0x88, $3  }
0x1: {  	(tag) =	ssettag $0x0;
	lr =	simm.s32 $0x1  }
0x2: {  	[smem:$0x3F9F] =	sst lr;
	_ =	strace $0xD0000000  }
0x3: {  	_ = 	snop  }
0x4: {  	_ = 	snop  }
0x5: {  	_ = 	snop  }
0x6: {  	_ = 	snop  }
0x7: {  	_ = 	snop  }
__scs_overlays_trampoline_lowered:
0x8: {  	[smem:$0x3FAE] =	sst s0  }
0x9: {  	[smem:$0x3FAF] =	sst s1  }
0xa: {  	[smem:$0x3FB0] =	sst s2  }
0xb: {  	[smem:$0x3FB1] =	sst s3  }
0xc: {  	[smem:$0x3FB2] =	sst s4  }
0xd: {  	[smem:$0x3FB3] =	sst s5  }
0xe: {  	[smem:$0x3FB4] =	sst s6  }
0xf: {  	[smem:$0x3FB5] =	sst s7  }
0x10: {  	[smem:$0x3FB6] =	sst s8  }
0x11: {  	[smem:$0x3FB7] =	sst s9;
	s0 =	simm.s32 @!p0 $0x0  }
0x12: {  	s1 =	sld [smem:$0x3F9D];
	s0 =	simm.s32 @p0 $0x1  }
0x13: {  	[smem:$0x3FB8] =	sst s0;
	s0 =	simm.s32 @!p1 $0x0  }
0x14: {  	s2 =	sld [smem:$0x3F9C];
	s0 =	simm.s32 @p1 $0x1  }
0x15: {  	[smem:$0x3FB9] =	sst s0;
	s0 =	simm.s32 @!p2 $0x0  }
0x16: {  	s3 =	sld [smem:$0x3FDB];
	s0 =	simm.s32 @p2 $0x1  }
0x17: {  	s4 =	simm.s32 $0x1BF5;
	[smem:$0x3FBB] =	sst s0  }
0x18: {  	s0 =	sld [smem:$0x3F9E];
	_ =	swait.ge [sflag:s4], $0x0  }
0x19: {  	s7 =	sld [smem:$0x3F9F]  }
0x1a: {  	s8 =	sadd.s32 $0xFFFFE003, lr  }
0x1b: {  	s9 =	sadd.s32 $0xFFFFFEF7, lr;
	s5 =	simm.s32 $0xFFFFFFFF;
	p2 =	slt.u32 s8, $0xFFFFF086  }
0x1c: {  	p1 =	slt.u32 s9, $0xF7A;
	s5 =	simm.s32 @!p2 $0x0  }
0x1d: {  	s5 =	simm.s32 @p1 $0x1;
	p0 =	seq.s32 s7, s2  }
0x1e: {  	s7 =	smul.u32 @!p0 $0xF7A, s2;
	p2 =	seq.s32 @!p0 s5, $0x0  }
0x1f: {  	s9 =	smul.u32 $0xF7A, s1;
	s8 =	simm.s32 @!p0 $0x1BF5;
	p2 =	por !p2, p0  }
0x20: {  	[sflag:s8] =	ssyncset.s32 @!p0 $0xFFFFF086;
	s6 =	sadd.s32 @!p0 s3, s7;
	s7 =	simm.s32 @!p0 $0x108  }
0x21: {  	s3 =	sadd.s32 s3, s9;
	s6 =	sadd.s32 @!p0 $0x88, s6;
	s7 =	simm.s32 @p2 $0x1082  }
0x22: {  	[simem:s7], [sflag:s8] =	dma.local @!p0 [hbm:s6], $0xF7A  }
0x23: {  	s9 =	sor.u32 $0xD0000000, s2;
	s6 =	simm.s32 $0x108;
	_ =	swait.ge @!p0 [sflag:s8], $0x0  }
0x24: {  	s3 =	sadd.s32 $0x88, s3;
	s6 =	simm.s32 @!p1 $0x1082;
	[sflag:s4] =	ssyncset.s32 $0xFFFFF086  }
0x25: {  	[simem:s6], [sflag:s4] =	dma.local [hbm:s3], $0xF7A  }
0x26: {  	[smem:$0x3F9F] =	sst s1;
	(tag) =	ssettag s2;
	_ =	strace s9  }
0x27: {  	s1 =	sld [smem:$0x3FAF]  }
0x28: {  	s2 =	sld [smem:$0x3FB0]  }
0x29: {  	s4 =	sld [smem:$0x3FB2]  }
0x2a: {  	p0 =	seq.s32 s5, $0x0;
	s5 =	sld [smem:$0x3FB3]  }
0x2b: {  	s6 =	sld [smem:$0x3FB4]  }
0x2c: {  	s7 =	sld [smem:$0x3FB5]  }
0x2d: {  	s3 =	simm.s32 $0x108;
	s8 =	sld [smem:$0x3FB6]  }
0x2e: {  	s3 =	simm.s32 @!p0 $0x1082;
	s9 =	sld [smem:$0x3FB7]  }
0x2f: {  	lr =	sadd.s32 s0, s3;
	s0 =	sld [smem:$0x3FAE]  }
0x30: {  	s3 =	sld [smem:$0x3FB1]  }
0x31: {  	[smem:$0x3FBA] =	sst s10  }
0x32: {  	s10 =	sld [smem:$0x3FB8];
	_ =	sdelay $0x3  }
0x33: {  	p0 =	seq.s32 s10, $0x1;
	s10 =	sld [smem:$0x3FBA];
	_ =	sdelay $0x3  }
0x34: {  	[smem:$0x3FBA] =	sst s10  }
0x35: {  	s10 =	sld [smem:$0x3FB9];
	_ =	sdelay $0x3  }
0x36: {  	p1 =	seq.s32 s10, $0x1;
	s10 =	sld [smem:$0x3FBA];
	_ =	sdelay $0x3  }
0x37: {  	[smem:$0x3FBA] =	sst s10  }
0x38: {  	s10 =	sld [smem:$0x3FBB]  }
0x39: {  	_ = 	snop;
	(pc) =	sbr.ind lr, $3  }
0x3a: {  	_ = 	snop  }
0x3b: {  	_ = 	snop  }
0x3c: {  	p2 =	seq.s32 s10, $0x1;
	s10 =	sld [smem:$0x3FBA]  }
0x3d: {  	_ =	shalt  }
0x3e: {  	_ =	shalt  }
0x3f: {  	_ =	shalt  }
0x40: {  	_ =	shalt  }
0x41: {  	_ =	shalt  }
0x42: {  	_ =	shalt  }
0x43: {  	_ =	shalt  }
0x44: {  	_ =	shalt  }
0x45: {  	_ =	shalt  }
0x46: {  	_ =	shalt  }
0x47: {  	_ =	shalt  }
0x48: {  	_ =	shalt  }
0x49: {  	_ =	shalt  }
0x4a: {  	_ =	shalt  }
0x4b: {  	_ =	shalt  }
0x4c: {  	_ =	shalt  }
0x4d: {  	_ =	shalt  }
0x4e: {  	_ =	shalt  }
0x4f: {  	_ =	shalt  }
0x50: {  	_ =	shalt  }
0x51: {  	_ =	shalt  }
0x52: {  	_ =	shalt  }
0x53: {  	_ =	shalt  }
0x54: {  	_ =	shalt  }
0x55: {  	_ =	shalt  }
0x56: {  	_ =	shalt  }
0x57: {  	_ =	shalt  }
0x58: {  	_ =	shalt  }
0x59: {  	_ =	shalt  }
0x5a: {  	_ =	shalt  }
0x5b: {  	_ =	shalt  }
0x5c: {  	_ =	shalt  }
0x5d: {  	_ =	shalt  }
0x5e: {  	_ =	shalt  }
0x5f: {  	_ =	shalt  }
0x60: {  	_ =	shalt  }
0x61: {  	_ =	shalt  }
0x62: {  	_ =	shalt  }
0x63: {  	_ =	shalt  }
0x64: {  	_ =	shalt  }
0x65: {  	_ =	shalt  }
0x66: {  	_ =	shalt  }
0x67: {  	_ =	shalt  }
0x68: {  	_ =	shalt  }
0x69: {  	_ =	shalt  }
0x6a: {  	_ =	shalt  }
0x6b: {  	_ =	shalt  }
0x6c: {  	_ =	shalt  }
0x6d: {  	_ =	shalt  }
0x6e: {  	_ =	shalt  }
0x6f: {  	_ =	shalt  }
0x70: {  	_ =	shalt  }
0x71: {  	_ =	shalt  }
0x72: {  	_ =	shalt  }
0x73: {  	_ =	shalt  }
0x74: {  	_ =	shalt  }
0x75: {  	_ =	shalt  }
0x76: {  	_ =	shalt  }
0x77: {  	_ =	shalt  }
0x78: {  	_ =	shalt  }
0x79: {  	_ =	shalt  }
0x7a: {  	_ =	shalt  }
0x7b: {  	_ =	shalt  }
0x7c: {  	_ =	shalt  }
0x7d: {  	_ =	shalt  }
0x7e: {  	_ =	shalt  }
0x7f: {  	_ =	shalt  }
0x80: {  	_ =	shalt  }
0x81: {  	_ =	shalt  }
0x82: {  	_ =	shalt  }
0x83: {  	_ =	shalt  }
0x84: {  	_ =	shalt  }
0x85: {  	_ =	shalt  }
0x86: {  	_ =	shalt  }
0x87: {  	_ =	shalt  }
.Lfunc_end0:
.L_simem_size_0:
called_computation_lowered:
.L_overlay_start_0:
0x88: {  	s2 =	sld [smem:$0x3FD9]  }
0x89: {  	s3 =	sld [smem:$0x3FFE];
	_ =	sdelay $0x1  }
0x8a: {  	s1 =	srdreg.scid  }
0x8b: {  	s0 =	sand.u32 $0x1, s1  }
0x8c: {  	s16 =	sshll.u32 s0, $0xA;
	s2 =	sadd.s32 s3, s2  }
0x8d: {  	s2 =	sadd.s32 s2, s16  }
0x8e: {  	[smem:$0x3FC6] =	sst s2  }
0x8f: {  	_ = 	snop  }
0x90: {  	(tm) =	ssettm $0x1  }
0x91: {  	s17 =	sld [smem:$0x3FFB];
	_ =	sdelay $0x3  }
0x92: {  	_ =	strace s17  }
0x93: {  	s2 =	sld [smem:$0x3FFC];
	_ =	sdelay $0x3  }
0x94: {  	_ =	strace s2  }
0x95: {  	s2 =	sld [smem:$0x3FFD];
	_ =	sdelay $0x3  }
0x96: {  	_ =	strace s2  }
0x97: {  	_ =	strace $0x8FFFFFFF  }
0x98: {  	s18 =	sld [smem:$0x3FDB];
	_ =	sdelay $0x1  }
0x99: {  	s19 =	simm.s32 $_scs_section_size  }
0x9a: {  	s4 =	simm.s32 $_size__tile_overlayer_lowered;
	s5 =	simm.s32 $_tile_overlayer_lowered  }
0x9b: {  	s22 =	simm.s32 $0x1BFF;
	s21 =	sshll.u32 s5, $0x1;
	s2 =	sadd.s32 s19, s18  }
0x9c: {  	s6 =	simm.s32 $0x0;
	s20 =	sshll.u32 s4, $0x1;
	s4 =	sadd.s32 s21, s2  }
0x9d: {  	[timem:s6], [sflag:s22] =	dma.local [hbm:s4], s20  }
0x9e: {  	_ =	swait.ge [sflag:s22], s20  }
0x9f: {  	s3 =	ssub.s32 $0x0, s20;
	[sflag:s22] =	ssyncset.done $0x0  }
0xa0: {  	[sflag:s22] =	ssyncadd.s32 s3;
	_ =	sdelay $0x1  }
0xa1: {  	s23 =	simm.s32 $0x1B8B  }
0xa2: {  	_ =	swait.ge [sflag:s23], $0x1  }
0xa3: {  	[sflag:s23] =	ssyncset.done $0x0  }
0xa4: {  	s25 =	simm.s32 $0x1B8E;
	s24 =	sld [smem:$0x3FFE];
	[sflag:s23] =	ssyncadd.s32 $0xFFFFFFFF  }
0xa5: {  	s26 =	simm.s32 $execute0_lowered;
	[smem:$0x3FD2] =	sst s25  }
0xa6: {  	s4 =	sshll.u32 s26, $0x1;
	_ =	strace $0x80000046;
	[dreg:$0x1] =	wrdreg $0xFFFFFFFF  }
0xa7: {  	s28 =	simm.s32 $_size_execute0_lowered;
	s2 =	sadd.s32 s2, s4;
	[dreg:$0x0] =	wrdreg $0x0  }
0xa8: {  	s4 =	sshll.u32 s28, $0x1;
	[dreg:$0x2] =	wrdreg s2  }
0xa9: {  	[dreg:$0x3] =	wrdreg s4  }
0xaa: {  	[dreg:$0x4] =	wrdreg $0xC0  }
0xab: {  	_ =	task [dreg:s6], $0x5FFFF  }
0xac: {  	[dreg:$0x1] =	wrdreg $0xFFFFFFFF  }
0xad: {  	[dreg:$0x0] =	wrdreg $0x60  }
0xae: {  	[dreg:$0x2] =	wrdreg s24  }
0xaf: {  	[dreg:$0x3] =	wrdreg $0x9  }
0xb0: {  	_ =	task.clear_ibuf [dreg:s6], $0x4FFFF;
	_ =	strace $0x90000046  }
0xb1: {  	s29 =	simm.s32 $0x9;
	_ =	strace $0x80000048  }
0xb2: {  	_ =	swait.ge [sflag:s29], $0x1  }
0xb3: {  	[sflag:s29] =	ssyncadd.s32 $0xFFFFFFFF  }
0xb4: {  	_ =	strace $0x90000048  }
0xb5: {  	_ =	sfence  }
0xb6: {  	s30 =	sld [smem:$0x0];
	_ =	sdelay $0x2  }
0xb7: {  	s31 =	sshll.u32 s1, $0xD;
	s1 =	sshrl.u32 s1, $0x2  }
0xb8: {  	s3 =	sand.u32 $0x4000, s31;
	s1 =	sadd.s32 s1, s30  }
0xb9: {  	s0 =	sor.u32 s3, s0;
	s1 =	sshll.u32 s1, $0x11  }
0xba: {  	s0 =	sor.u32 s1, s0  }
0xbb: {  	s0 =	sadd.s32 $0x8F2B, s0  }
0xbc: {  	[sflag:s0] =	ssyncadd.remote.s32 $0x1  }
0xbd: {  	_ =	sfence.sel $0xFFFF  }
0xbe: {  	[dreg:$0x0] =	wrdreg $0xFFFFFFFF;
	(pc) =	sbr.abs _section_cstart, $3  }
0xbf: {  	[dreg:$0x1] =	wrdreg $0xFFFFFFFF  }
0xc0: {  	_ =	task.clear_ibuf [dreg:s6], $0x2FFFF;
	_ =	strace $0x9FFFFFFF  }
0xc1: {  	(tm) =	ssettm $0x7FFFFFFF  }
tec
execute0_lowered:
.L_overlay_start_1:
0x0: {  	(tag) =	ssettag $0x1  }
0x1: {  	s3 =	rddreg [dreg:$0x0];
	s2 =	srdreg.scid  }
0x2: {  	s0 =	rddreg [dreg:$0x1];
	s1 =	stileid.u32;
	s7 =	simm.s32 $0x10000  }
0x3: {  	s8 =	simm.s32 $0x1;
	s9 =	simm.s32 $0x6800;
	s10 =	simm.s32 $0x0  }
0x4: {  	s4 =	sand.u32 $0x1, s2;
	s2 =	simm.s32 $0x0;
	s5 =	sshll.u32 s1, $0x9  }
0x5: {  	s6 =	sshll.u32 s4, $0x8;
	[smem:$0x7FF] =	sst s2;
	s4 =	ssub.s32 $0x2, s4  }
0x6: {  	s5 =	sor.u32 s6, s5;
	_ =	strace $0x80000047;
	s30 =	sshrl.u32 s4, $0x1  }
0x7: {  	s6 =	simm.s32 $0x800;
	s5 =	sadd.s32 s5, s3;
	s31 =	ssub.s32 s4, s30  }
0x8: {  	s3 =	sadd.s32 $0xA00, s5;
	s4 =	sadd.s32 $0x1AA00, s5;
	s5 =	smax.u32 s31, $0x1  }
.LBB2_1:
0x9: {  	[tilespmem:s2], [sflag:$0x1] =	stream.strided.gather [hbm4b:s3+s6], $0x6800, s7, s6, $0x38;
	[tilespmem:$0x7000] =	vst v63  }
0xa: {  	_ =	swait.ge [sflag:s8], $0x6800  }
0xb: {  	s11 =	sand.u32 $0x7800, s2;
	s12 =	sand.u32 $0x380, s2;
	[sflag:s8] =	ssyncset.done $0x0  }
0xc: {  	s11 =	sor.u32 s12, s11;
	[sflag:s8] =	ssyncadd.s32 $0xFFFF9800  }
0xd: {  	v1 =	vld [tilespmem:s11+$0x0]  }
0xe: {  	v2 =	vld [tilespmem:s11+$0x10]  }
0xf: {  	v4 =	vimm.f32 $+Inf;
	v0 =	vimm.s32 $0x0  }
0x10: {  	v10 =	vimm.f32 $+Inf;
	v19 =	vimm.f32 $+Inf;
	v20 =	vimm.f32 $+Inf  }
0x11: {  	v11 =	vimm.f32 $+Inf;
	v17 =	vimm.f32 $+Inf;
	v9 =	vimm.s32 $0x0  }
0x12: {  	v7 =	vimm.s32 $0x0;
	v13 =	vimm.s32 $0x0;
	vm0 =	vlt.f32 v1, v4  }
0x13: {  	v21 =	vimm.f32 $+Inf;
	vm1 =	vlt.f32 v2, v4;
	v1 =	vsel vm0, v1, v4  }
0x14: {  	v5 =	vsel vm0, s2, v0;
	v14 =	vsel vm1, v2, v4;
	vm0 =	vlt.f32 v1, v4  }
0x15: {  	v3 =	vsel vm1, s2, v0;
	v6 =	vsel vm0, v1, v4;
	v2 =	vsel vm0, v5, v0  }
0x16: {  	v8 =	vsel vm0, v4, v1;
	v1 =	vsel vm0, v0, v5;
	vm0 =	vlt.f32 v14, v4  }
0x17: {  	v5 =	vimm.s32 $0x0;
	vm2 =	vlt.f32 v6, v4;
	v12 =	vsel vm0, v3, v0  }
0x18: {  	v26 =	vsel vm0, v14, v4;
	v24 =	vsel vm2, v6, v4;
	v15 =	vsel vm2, v2, v0  }
0x19: {  	v2 =	vsel vm2, v0, v2;
	v18 =	vsel vm2, v4, v6;
	vm2 =	vlt.f32 v26, v4  }
0x1a: {  	v6 =	vimm.s32 $0x0;
	vm1 =	vlt.f32 v24, v4;
	v22 =	vsel vm2, v12, v0  }
0x1b: {  	s14 =	simm.s32 $0x1;
	s12 =	simm.s32 $0x100;
	s11 =	simm.s32 $0x80;
	v16 =	vsel vm2, v4, v26;
	v25 =	vsel vm1, v24, v4;
	v23 =	vsel vm1, v15, v0  }
.LBB2_2:
0x1c: {  	s15 =	sand.u32 $0x7800, s12  }
0x1d: {  	s16 =	sand.u32 $0x380, s11;
	v27 =	vsel vm1, v4, v24;
	vm3 =	vlt.f32 v25, v10;
	v19 =	vsel vm2, v26, v19;
	s17 =	smov.u32 s14;
	s13 =	sadd.s32 $0x1, s14  }
0x1e: {  	p0 =	sne.s32 s14, $0x63;
	s15 =	sor.u32 s16, s15;
	v4 =	vsel vm3, v10, v25;
	v28 =	vsel vm3, v0, v23;
	vm4 =	vlt.f32 v19, v20  }
0x1f: {  	v10 =	vsel vm3, v25, v10;
	v24 =	vld [tilespmem:s15+$0x0];
	v25 =	vsel vm4, v19, v20;
	v19 =	vsel vm4, v20, v19  }
0x20: {  	v0 =	vsel vm3, v23, v0;
	v23 =	vsel vm4, v22, v6;
	v26 =	vld [tilespmem:s15+$0x10];
	vm3 =	vlt.f32 v25, v11  }
0x21: {  	v14 =	vsel vm0, v17, v14;
	v3 =	vsel vm0, v5, v3;
	v17 =	vmovc v16;
	v11 =	vsel vm3, v25, v11  }
0x22: {  	v29 =	vsel vm1, v9, v15;
	v5 =	vsel vm2, v7, v12;
	v7 =	vsel vm4, v6, v22;
	v9 =	vmovc v28  }
0x23: {  	v20 =	vsel vm3, v21, v25;
	v6 =	vsel vm3, v13, v23;
	v13 =	vsel vm3, v23, v13;
	v21 =	vmovc v11  }
0x24: {  	vm0 =	vlt.f32 v24, v8  }
0x25: {  	v8 =	vsel vm0, v24, v8;
	v1 =	vsel vm0, s17, v1;
	vm0 =	vlt.f32 v26, v14  }
0x26: {  	vm1 =	vlt.f32 v8, v18;
	v14 =	vsel vm0, v26, v14;
	v3 =	vsel vm0, s17, v3  }
0x27: {  	v22 =	vsel vm1, v8, v18;
	v23 =	vsel vm1, v1, v2;
	v8 =	vsel vm1, v18, v8  }
.Ltmp0:
0x28: {  	v1 =	vsel vm1, v2, v1;
	vm0 =	vlt.f32 v14, v16;
	vm2 =	vlt.f32 v22, v27;
	(pc) =	sbr.rel @p0 .LBB2_2-.Ltmp0, $4  }
0x29: {  	v12 =	vsel vm0, v3, v5;
	v24 =	vsel vm2, v22, v27;
	v15 =	vsel vm2, v23, v29  }
0x2a: {  	v26 =	vsel vm0, v14, v16;
	v2 =	vsel vm2, v29, v23;
	vm1 =	vlt.f32 v24, v4  }
0x2b: {  	v18 =	vsel vm2, v27, v22;
	vm2 =	vlt.f32 v26, v19;
	v25 =	vsel vm1, v24, v4  }
0x2c: {  	s11 =	sadd.s32 $0x80, s11;
	s12 =	sadd.s32 $0x100, s12;
	s14 =	smov.u32 s13;
	v22 =	vsel vm2, v12, v7;
	v16 =	vsel vm2, v19, v26;
	v23 =	vsel vm1, v15, v28  }
0x2d: {  	vm4 =	vlt.f32 v25, v10;
	[tilespmem:$0x6980] =	vst v2  }
0x2e: {  	v4 =	vsel vm2, v26, v19;
	[tilespmem:$0x6A00] =	vst v1;
	v8 =	vsel vm4, v23, v0  }
0x2f: {  	vm3 =	vlt.f32 v4, v20;
	v0 =	vsel vm4, v0, v23;
	[tilespmem:$0x6800] =	vst v8  }
0x30: {  	v4 =	vsel vm3, v4, v20;
	[tilespmem:$0x6880] =	vst v0;
	v0 =	vsel vm1, v9, v15  }
0x31: {  	v10 =	vsel vm3, v22, v6;
	vm5 =	vlt.f32 v4, v11;
	[tilespmem:$0x6900] =	vst v0;
	v0 =	vsel vm2, v7, v12  }
0x32: {  	v4 =	vsel vm5, v10, v13;
	[tilespmem:$0x6990] =	vst v0  }
0x33: {  	v0 =	vsel vm0, v5, v3;
	[tilespmem:$0x6810] =	vst v4  }
0x34: {  	s11 =	simm.s32 $0x0;
	v4 =	vsel vm5, v13, v10;
	[tilespmem:$0x6A10] =	vst v0  }
0x35: {  	s12 =	sand.u32 $0x7800, s11;
	s13 =	sand.u32 $0x380, s11;
	[tilespmem:$0x6890] =	vst v4;
	v4 =	vsel vm3, v6, v22  }
0x36: {  	s12 =	sor.u32 s13, s12;
	[tilespmem:$0x6910] =	vst v4  }
0x37: {  	v1 =	vld [tilespmem:s12+$0x20]  }
0x38: {  	v2 =	vld [tilespmem:s12+$0x30]  }
0x39: {  	v19 =	vimm.f32 $+Inf;
	v17 =	vimm.f32 $+Inf  }
0x3a: {  	v21 =	vimm.f32 $+Inf;
	v20 =	vimm.f32 $+Inf;
	v9 =	vimm.s32 $0x0  }
0x3b: {  	v11 =	vimm.f32 $+Inf;
	v7 =	vimm.s32 $0x0;
	v4 =	vimm.f32 $+Inf  }
0x3c: {  	v0 =	vimm.s32 $0x0;
	v10 =	vimm.f32 $+Inf;
	vm0 =	vlt.f32 v1, v4  }
0x3d: {  	v13 =	vimm.s32 $0x0;
	vm1 =	vlt.f32 v2, v4;
	v1 =	vsel vm0, v1, v4  }
0x3e: {  	v5 =	vsel vm0, s11, v0;
	v14 =	vsel vm1, v2, v4;
	vm0 =	vlt.f32 v1, v4  }
0x3f: {  	v3 =	vsel vm1, s11, v0;
	v6 =	vsel vm0, v1, v4;
	v2 =	vsel vm0, v5, v0  }
0x40: {  	v8 =	vsel vm0, v4, v1;
	v1 =	vsel vm0, v0, v5;
	vm0 =	vlt.f32 v14, v4  }
0x41: {  	v5 =	vimm.s32 $0x0;
	vm2 =	vlt.f32 v6, v4;
	v12 =	vsel vm0, v3, v0  }
0x42: {  	v26 =	vsel vm0, v14, v4;
	v24 =	vsel vm2, v6, v4;
	v15 =	vsel vm2, v2, v0  }
0x43: {  	v2 =	vsel vm2, v0, v2;
	v18 =	vsel vm2, v4, v6;
	vm2 =	vlt.f32 v26, v4  }
0x44: {  	v6 =	vimm.s32 $0x0;
	vm1 =	vlt.f32 v24, v4;
	v22 =	vsel vm2, v12, v0  }
0x45: {  	s14 =	simm.s32 $0x1;
	s12 =	simm.s32 $0x100;
	s11 =	simm.s32 $0x80;
	v16 =	vsel vm2, v4, v26;
	v25 =	vsel vm1, v24, v4;
	v23 =	vsel vm1, v15, v0  }
.LBB2_4:
0x46: {  	s15 =	sand.u32 $0x7800, s12  }
0x47: {  	s16 =	sand.u32 $0x380, s11;
	v27 =	vsel vm1, v4, v24;
	vm3 =	vlt.f32 v25, v10;
	v19 =	vsel vm2, v26, v19;
	s17 =	smov.u32 s14;
	s13 =	sadd.s32 $0x1, s14  }
0x48: {  	p0 =	sne.s32 s14, $0x63;
	s15 =	sor.u32 s16, s15;
	v4 =	vsel vm3, v10, v25;
	v28 =	vsel vm3, v0, v23;
	vm4 =	vlt.f32 v19, v20  }
0x49: {  	v10 =	vsel vm3, v25, v10;
	v24 =	vld [tilespmem:s15+$0x20];
	v25 =	vsel vm4, v19, v20;
	v19 =	vsel vm4, v20, v19  }
0x4a: {  	v0 =	vsel vm3, v23, v0;
	v23 =	vsel vm4, v22, v6;
	v26 =	vld [tilespmem:s15+$0x30];
	vm3 =	vlt.f32 v25, v11  }
0x4b: {  	v14 =	vsel vm0, v17, v14;
	v3 =	vsel vm0, v5, v3;
	v17 =	vmovc v16;
	v11 =	vsel vm3, v25, v11  }
0x4c: {  	v29 =	vsel vm1, v9, v15;
	v5 =	vsel vm2, v7, v12;
	v7 =	vsel vm4, v6, v22;
	v9 =	vmovc v28  }
0x4d: {  	v20 =	vsel vm3, v21, v25;
	v6 =	vsel vm3, v13, v23;
	v13 =	vsel vm3, v23, v13;
	v21 =	vmovc v11  }
0x4e: {  	vm0 =	vlt.f32 v24, v8  }
0x4f: {  	v8 =	vsel vm0, v24, v8;
	v1 =	vsel vm0, s17, v1;
	vm0 =	vlt.f32 v26, v14  }
0x50: {  	vm1 =	vlt.f32 v8, v18;
	v14 =	vsel vm0, v26, v14;
	v3 =	vsel vm0, s17, v3  }
0x51: {  	v22 =	vsel vm1, v8, v18;
	v23 =	vsel vm1, v1, v2;
	v8 =	vsel vm1, v18, v8  }
.Ltmp1:
0x52: {  	v1 =	vsel vm1, v2, v1;
	vm0 =	vlt.f32 v14, v16;
	vm2 =	vlt.f32 v22, v27;
	(pc) =	sbr.rel @p0 .LBB2_4-.Ltmp1, $4  }
0x53: {  	v12 =	vsel vm0, v3, v5;
	v24 =	vsel vm2, v22, v27;
	v15 =	vsel vm2, v23, v29  }
0x54: {  	v26 =	vsel vm0, v14, v16;
	v2 =	vsel vm2, v29, v23;
	vm1 =	vlt.f32 v24, v4  }
0x55: {  	v18 =	vsel vm2, v27, v22;
	vm2 =	vlt.f32 v26, v19;
	v25 =	vsel vm1, v24, v4  }
0x56: {  	s11 =	sadd.s32 $0x80, s11;
	s12 =	sadd.s32 $0x100, s12;
	s14 =	smov.u32 s13;
	v22 =	vsel vm2, v12, v7;
	v16 =	vsel vm2, v19, v26;
	v23 =	vsel vm1, v15, v28  }
0x57: {  	vm4 =	vlt.f32 v25, v10;
	[tilespmem:$0x69A0] =	vst v2  }
0x58: {  	v4 =	vsel vm2, v26, v19;
	[tilespmem:$0x6A20] =	vst v1;
	v8 =	vsel vm4, v23, v0  }
0x59: {  	vm3 =	vlt.f32 v4, v20;
	v0 =	vsel vm4, v0, v23;
	[tilespmem:$0x6820] =	vst v8  }
0x5a: {  	v4 =	vsel vm3, v4, v20;
	[tilespmem:$0x68A0] =	vst v0;
	v0 =	vsel vm1, v9, v15  }
0x5b: {  	v10 =	vsel vm3, v22, v6;
	vm5 =	vlt.f32 v4, v11;
	[tilespmem:$0x6920] =	vst v0;
	v0 =	vsel vm2, v7, v12  }
0x5c: {  	v4 =	vsel vm5, v10, v13;
	[tilespmem:$0x69B0] =	vst v0  }
0x5d: {  	v0 =	vsel vm0, v5, v3;
	[tilespmem:$0x6830] =	vst v4  }
0x5e: {  	s11 =	simm.s32 $0x0;
	v4 =	vsel vm5, v13, v10;
	[tilespmem:$0x6A30] =	vst v0  }
0x5f: {  	s12 =	sand.u32 $0x7800, s11;
	s13 =	sand.u32 $0x380, s11;
	[tilespmem:$0x68B0] =	vst v4;
	v4 =	vsel vm3, v6, v22  }
0x60: {  	s12 =	sor.u32 s13, s12;
	[tilespmem:$0x6930] =	vst v4  }
0x61: {  	v1 =	vld [tilespmem:s12+$0x40]  }
0x62: {  	v2 =	vld [tilespmem:s12+$0x50]  }
0x63: {  	v19 =	vimm.f32 $+Inf;
	v17 =	vimm.f32 $+Inf  }
0x64: {  	v21 =	vimm.f32 $+Inf;
	v20 =	vimm.f32 $+Inf;
	v9 =	vimm.s32 $0x0  }
0x65: {  	v11 =	vimm.f32 $+Inf;
	v7 =	vimm.s32 $0x0;
	v4 =	vimm.f32 $+Inf  }
0x66: {  	v0 =	vimm.s32 $0x0;
	v10 =	vimm.f32 $+Inf;
	vm0 =	vlt.f32 v1, v4  }
0x67: {  	v13 =	vimm.s32 $0x0;
	vm1 =	vlt.f32 v2, v4;
	v1 =	vsel vm0, v1, v4  }
0x68: {  	v5 =	vsel vm0, s11, v0;
	v14 =	vsel vm1, v2, v4;
	vm0 =	vlt.f32 v1, v4  }
0x69: {  	v3 =	vsel vm1, s11, v0;
	v6 =	vsel vm0, v1, v4;
	v2 =	vsel vm0, v5, v0  }
0x6a: {  	v8 =	vsel vm0, v4, v1;
	v1 =	vsel vm0, v0, v5;
	vm0 =	vlt.f32 v14, v4  }
0x6b: {  	v5 =	vimm.s32 $0x0;
	vm2 =	vlt.f32 v6, v4;
	v12 =	vsel vm0, v3, v0  }
0x6c: {  	v26 =	vsel vm0, v14, v4;
	v24 =	vsel vm2, v6, v4;
	v15 =	vsel vm2, v2, v0  }
0x6d: {  	v2 =	vsel vm2, v0, v2;
	v18 =	vsel vm2, v4, v6;
	vm2 =	vlt.f32 v26, v4  }
0x6e: {  	v6 =	vimm.s32 $0x0;
	vm1 =	vlt.f32 v24, v4;
	v22 =	vsel vm2, v12, v0  }
0x6f: {  	s14 =	simm.s32 $0x1;
	s12 =	simm.s32 $0x100;
	s11 =	simm.s32 $0x80;
	v16 =	vsel vm2, v4, v26;
	v25 =	vsel vm1, v24, v4;
	v23 =	vsel vm1, v15, v0  }
.LBB2_6:
0x70: {  	s15 =	sand.u32 $0x7800, s12  }
0x71: {  	s16 =	sand.u32 $0x380, s11;
	v27 =	vsel vm1, v4, v24;
	vm3 =	vlt.f32 v25, v10;
	v19 =	vsel vm2, v26, v19;
	s17 =	smov.u32 s14;
	s13 =	sadd.s32 $0x1, s14  }
0x72: {  	p0 =	sne.s32 s14, $0x63;
	s15 =	sor.u32 s16, s15;
	v4 =	vsel vm3, v10, v25;
	v28 =	vsel vm3, v0, v23;
	vm4 =	vlt.f32 v19, v20  }
0x73: {  	v10 =	vsel vm3, v25, v10;
	v24 =	vld [tilespmem:s15+$0x40];
	v25 =	vsel vm4, v19, v20;
	v19 =	vsel vm4, v20, v19  }
0x74: {  	v0 =	vsel vm3, v23, v0;
	v23 =	vsel vm4, v22, v6;
	v26 =	vld [tilespmem:s15+$0x50];
	vm3 =	vlt.f32 v25, v11  }
0x75: {  	v14 =	vsel vm0, v17, v14;
	v3 =	vsel vm0, v5, v3;
	v17 =	vmovc v16;
	v11 =	vsel vm3, v25, v11  }
0x76: {  	v29 =	vsel vm1, v9, v15;
	v5 =	vsel vm2, v7, v12;
	v7 =	vsel vm4, v6, v22;
	v9 =	vmovc v28  }
0x77: {  	v20 =	vsel vm3, v21, v25;
	v6 =	vsel vm3, v13, v23;
	v13 =	vsel vm3, v23, v13;
	v21 =	vmovc v11  }
0x78: {  	vm0 =	vlt.f32 v24, v8  }
0x79: {  	v8 =	vsel vm0, v24, v8;
	v1 =	vsel vm0, s17, v1;
	vm0 =	vlt.f32 v26, v14  }
0x7a: {  	vm1 =	vlt.f32 v8, v18;
	v14 =	vsel vm0, v26, v14;
	v3 =	vsel vm0, s17, v3  }
0x7b: {  	v22 =	vsel vm1, v8, v18;
	v23 =	vsel vm1, v1, v2;
	v8 =	vsel vm1, v18, v8  }
.Ltmp2:
0x7c: {  	v1 =	vsel vm1, v2, v1;
	vm0 =	vlt.f32 v14, v16;
	vm2 =	vlt.f32 v22, v27;
	(pc) =	sbr.rel @p0 .LBB2_6-.Ltmp2, $4  }
0x7d: {  	v12 =	vsel vm0, v3, v5;
	v24 =	vsel vm2, v22, v27;
	v15 =	vsel vm2, v23, v29  }
0x7e: {  	v26 =	vsel vm0, v14, v16;
	v2 =	vsel vm2, v29, v23;
	vm1 =	vlt.f32 v24, v4  }
0x7f: {  	v18 =	vsel vm2, v27, v22;
	vm2 =	vlt.f32 v26, v19;
	v25 =	vsel vm1, v24, v4  }
0x80: {  	s11 =	sadd.s32 $0x80, s11;
	s12 =	sadd.s32 $0x100, s12;
	s14 =	smov.u32 s13;
	v22 =	vsel vm2, v12, v7;
	v16 =	vsel vm2, v19, v26;
	v23 =	vsel vm1, v15, v28  }
0x81: {  	vm4 =	vlt.f32 v25, v10;
	[tilespmem:$0x69C0] =	vst v2  }
0x82: {  	v4 =	vsel vm2, v26, v19;
	[tilespmem:$0x6A40] =	vst v1;
	v8 =	vsel vm4, v23, v0  }
0x83: {  	vm3 =	vlt.f32 v4, v20;
	v0 =	vsel vm4, v0, v23;
	[tilespmem:$0x6840] =	vst v8  }
0x84: {  	v4 =	vsel vm3, v4, v20;
	[tilespmem:$0x68C0] =	vst v0;
	v0 =	vsel vm1, v9, v15  }
0x85: {  	v10 =	vsel vm3, v22, v6;
	vm5 =	vlt.f32 v4, v11;
	[tilespmem:$0x6940] =	vst v0;
	v0 =	vsel vm2, v7, v12  }
0x86: {  	v4 =	vsel vm5, v10, v13;
	[tilespmem:$0x69D0] =	vst v0  }
0x87: {  	v0 =	vsel vm0, v5, v3;
	[tilespmem:$0x6850] =	vst v4  }
0x88: {  	s11 =	simm.s32 $0x0;
	v4 =	vsel vm5, v13, v10;
	[tilespmem:$0x6A50] =	vst v0  }
0x89: {  	s12 =	sand.u32 $0x7800, s11;
	s13 =	sand.u32 $0x380, s11;
	[tilespmem:$0x68D0] =	vst v4;
	v4 =	vsel vm3, v6, v22  }
0x8a: {  	s12 =	sor.u32 s13, s12;
	[tilespmem:$0x6950] =	vst v4  }
0x8b: {  	v1 =	vld [tilespmem:s12+$0x60]  }
0x8c: {  	v2 =	vld [tilespmem:s12+$0x70]  }
0x8d: {  	v19 =	vimm.f32 $+Inf;
	v17 =	vimm.f32 $+Inf  }
0x8e: {  	v21 =	vimm.f32 $+Inf;
	v20 =	vimm.f32 $+Inf;
	v9 =	vimm.s32 $0x0  }
0x8f: {  	v11 =	vimm.f32 $+Inf;
	v7 =	vimm.s32 $0x0;
	v4 =	vimm.f32 $+Inf  }
0x90: {  	v0 =	vimm.s32 $0x0;
	v10 =	vimm.f32 $+Inf;
	vm0 =	vlt.f32 v1, v4  }
0x91: {  	v13 =	vimm.s32 $0x0;
	vm1 =	vlt.f32 v2, v4;
	v1 =	vsel vm0, v1, v4  }
0x92: {  	v5 =	vsel vm0, s11, v0;
	v14 =	vsel vm1, v2, v4;
	vm0 =	vlt.f32 v1, v4  }
0x93: {  	v3 =	vsel vm1, s11, v0;
	v6 =	vsel vm0, v1, v4;
	v2 =	vsel vm0, v5, v0  }
0x94: {  	v8 =	vsel vm0, v4, v1;
	v1 =	vsel vm0, v0, v5;
	vm0 =	vlt.f32 v14, v4  }
0x95: {  	v5 =	vimm.s32 $0x0;
	vm2 =	vlt.f32 v6, v4;
	v12 =	vsel vm0, v3, v0  }
0x96: {  	v26 =	vsel vm0, v14, v4;
	v24 =	vsel vm2, v6, v4;
	v15 =	vsel vm2, v2, v0  }
0x97: {  	v2 =	vsel vm2, v0, v2;
	v18 =	vsel vm2, v4, v6;
	vm2 =	vlt.f32 v26, v4  }
0x98: {  	v6 =	vimm.s32 $0x0;
	vm1 =	vlt.f32 v24, v4;
	v22 =	vsel vm2, v12, v0  }
0x99: {  	s14 =	simm.s32 $0x1;
	s12 =	simm.s32 $0x100;
	s11 =	simm.s32 $0x80;
	v16 =	vsel vm2, v4, v26;
	v25 =	vsel vm1, v24, v4;
	v23 =	vsel vm1, v15, v0  }
.LBB2_8:
0x9a: {  	s15 =	sand.u32 $0x7800, s12  }
0x9b: {  	s16 =	sand.u32 $0x380, s11;
	v27 =	vsel vm1, v4, v24;
	vm3 =	vlt.f32 v25, v10;
	v19 =	vsel vm2, v26, v19;
	s17 =	smov.u32 s14;
	s13 =	sadd.s32 $0x1, s14  }
0x9c: {  	p0 =	sne.s32 s14, $0x63;
	s15 =	sor.u32 s16, s15;
	v4 =	vsel vm3, v10, v25;
	v28 =	vsel vm3, v0, v23;
	vm4 =	vlt.f32 v19, v20  }
0x9d: {  	v10 =	vsel vm3, v25, v10;
	v24 =	vld [tilespmem:s15+$0x60];
	v25 =	vsel vm4, v19, v20;
	v19 =	vsel vm4, v20, v19  }
0x9e: {  	v0 =	vsel vm3, v23, v0;
	v23 =	vsel vm4, v22, v6;
	v26 =	vld [tilespmem:s15+$0x70];
	vm3 =	vlt.f32 v25, v11  }
0x9f: {  	v14 =	vsel vm0, v17, v14;
	v3 =	vsel vm0, v5, v3;
	v17 =	vmovc v16;
	v11 =	vsel vm3, v25, v11  }
0xa0: {  	v29 =	vsel vm1, v9, v15;
	v5 =	vsel vm2, v7, v12;
	v7 =	vsel vm4, v6, v22;
	v9 =	vmovc v28  }
0xa1: {  	v20 =	vsel vm3, v21, v25;
	v6 =	vsel vm3, v13, v23;
	v13 =	vsel vm3, v23, v13;
	v21 =	vmovc v11  }
0xa2: {  	vm0 =	vlt.f32 v24, v8  }
0xa3: {  	v8 =	vsel vm0, v24, v8;
	v1 =	vsel vm0, s17, v1;
	vm0 =	vlt.f32 v26, v14  }
0xa4: {  	vm1 =	vlt.f32 v8, v18;
	v14 =	vsel vm0, v26, v14;
	v3 =	vsel vm0, s17, v3  }
0xa5: {  	v22 =	vsel vm1, v8, v18;
	v23 =	vsel vm1, v1, v2;
	v8 =	vsel vm1, v18, v8  }
.Ltmp3:
0xa6: {  	v1 =	vsel vm1, v2, v1;
	vm0 =	vlt.f32 v14, v16;
	vm2 =	vlt.f32 v22, v27;
	(pc) =	sbr.rel @p0 .LBB2_8-.Ltmp3, $4  }
0xa7: {  	v12 =	vsel vm0, v3, v5;
	v24 =	vsel vm2, v22, v27;
	v15 =	vsel vm2, v23, v29  }
0xa8: {  	v26 =	vsel vm0, v14, v16;
	v2 =	vsel vm2, v29, v23;
	vm1 =	vlt.f32 v24, v4  }
0xa9: {  	v18 =	vsel vm2, v27, v22;
	vm2 =	vlt.f32 v26, v19;
	v25 =	vsel vm1, v24, v4  }
0xaa: {  	s11 =	sadd.s32 $0x80, s11;
	s12 =	sadd.s32 $0x100, s12;
	s14 =	smov.u32 s13;
	v22 =	vsel vm2, v12, v7;
	v16 =	vsel vm2, v19, v26;
	v23 =	vsel vm1, v15, v28  }
0xab: {  	vm4 =	vlt.f32 v25, v10;
	[tilespmem:$0x69E0] =	vst v2  }
0xac: {  	v4 =	vsel vm2, v26, v19;
	[tilespmem:$0x6A60] =	vst v1;
	v8 =	vsel vm4, v23, v0  }
0xad: {  	vm3 =	vlt.f32 v4, v20;
	v0 =	vsel vm4, v0, v23;
	[tilespmem:$0x6860] =	vst v8  }
0xae: {  	v4 =	vsel vm3, v4, v20;
	[tilespmem:$0x68E0] =	vst v0;
	v0 =	vsel vm1, v9, v15  }
0xaf: {  	v10 =	vsel vm3, v22, v6;
	vm5 =	vlt.f32 v4, v11;
	[tilespmem:$0x6960] =	vst v0;
	v0 =	vsel vm2, v7, v12  }
0xb0: {  	v4 =	vsel vm5, v10, v13;
	[tilespmem:$0x69F0] =	vst v0  }
0xb1: {  	v0 =	vsel vm0, v5, v3;
	[tilespmem:$0x6870] =	vst v4  }
0xb2: {  	s11 =	simm.s32 $0x0;
	v4 =	vsel vm5, v13, v10;
	[tilespmem:$0x6A70] =	vst v0  }
0xb3: {  	s12 =	sand.u32 $0x7800, s11;
	s13 =	sand.u32 $0x380, s11;
	[tilespmem:$0x68F0] =	vst v4;
	v4 =	vsel vm3, v6, v22  }
0xb4: {  	s12 =	sor.u32 s13, s12;
	[tilespmem:$0x6970] =	vst v4  }
0xb5: {  	v1 =	vld [tilespmem:s12+$0x400]  }
0xb6: {  	v2 =	vld [tilespmem:s12+$0x410]  }
0xb7: {  	v19 =	vimm.f32 $+Inf;
	v17 =	vimm.f32 $+Inf  }
0xb8: {  	v21 =	vimm.f32 $+Inf;
	v20 =	vimm.f32 $+Inf;
	v9 =	vimm.s32 $0x0  }
0xb9: {  	v11 =	vimm.f32 $+Inf;
	v7 =	vimm.s32 $0x0;
	v4 =	vimm.f32 $+Inf  }
0xba: {  	v0 =	vimm.s32 $0x0;
	v10 =	vimm.f32 $+Inf;
	vm0 =	vlt.f32 v1, v4  }
0xbb: {  	v13 =	vimm.s32 $0x0;
	vm1 =	vlt.f32 v2, v4;
	v1 =	vsel vm0, v1, v4  }
0xbc: {  	v5 =	vsel vm0, s11, v0;
	v14 =	vsel vm1, v2, v4;
	vm0 =	vlt.f32 v1, v4  }
0xbd: {  	v3 =	vsel vm1, s11, v0;
	v6 =	vsel vm0, v1, v4;
	v2 =	vsel vm0, v5, v0  }
0xbe: {  	v8 =	vsel vm0, v4, v1;
	v1 =	vsel vm0, v0, v5;
	vm0 =	vlt.f32 v14, v4  }
0xbf: {  	v5 =	vimm.s32 $0x0;
	vm2 =	vlt.f32 v6, v4;
	v12 =	vsel vm0, v3, v0  }
0xc0: {  	v26 =	vsel vm0, v14, v4;
	v24 =	vsel vm2, v6, v4;
	v15 =	vsel vm2, v2, v0  }
0xc1: {  	v2 =	vsel vm2, v0, v2;
	v18 =	vsel vm2, v4, v6;
	vm2 =	vlt.f32 v26, v4  }
0xc2: {  	v6 =	vimm.s32 $0x0;
	vm1 =	vlt.f32 v24, v4;
	v22 =	vsel vm2, v12, v0  }
0xc3: {  	s14 =	simm.s32 $0x1;
	s12 =	simm.s32 $0x100;
	s11 =	simm.s32 $0x80;
	v16 =	vsel vm2, v4, v26;
	v25 =	vsel vm1, v24, v4;
	v23 =	vsel vm1, v15, v0  }
.LBB2_10:
0xc4: {  	s15 =	sand.u32 $0x7800, s12  }
0xc5: {  	s16 =	sand.u32 $0x380, s11;
	v27 =	vsel vm1, v4, v24;
	vm3 =	vlt.f32 v25, v10;
	v19 =	vsel vm2, v26, v19;
	s17 =	smov.u32 s14;
	s13 =	sadd.s32 $0x1, s14  }
0xc6: {  	p0 =	sne.s32 s14, $0x63;
	s15 =	sor.u32 s16, s15;
	v4 =	vsel vm3, v10, v25;
	v28 =	vsel vm3, v0, v23;
	vm4 =	vlt.f32 v19, v20  }
0xc7: {  	v10 =	vsel vm3, v25, v10;
	v24 =	vld [tilespmem:s15+$0x400];
	v25 =	vsel vm4, v19, v20;
	v19 =	vsel vm4, v20, v19  }
0xc8: {  	v0 =	vsel vm3, v23, v0;
	v23 =	vsel vm4, v22, v6;
	v26 =	vld [tilespmem:s15+$0x410];
	vm3 =	vlt.f32 v25, v11  }
0xc9: {  	v14 =	vsel vm0, v17, v14;
	v3 =	vsel vm0, v5, v3;
	v17 =	vmovc v16;
	v11 =	vsel vm3, v25, v11  }
0xca: {  	v29 =	vsel vm1, v9, v15;
	v5 =	vsel vm2, v7, v12;
	v7 =	vsel vm4, v6, v22;
	v9 =	vmovc v28  }
0xcb: {  	v20 =	vsel vm3, v21, v25;
	v6 =	vsel vm3, v13, v23;
	v13 =	vsel vm3, v23, v13;
	v21 =	vmovc v11  }
0xcc: {  	vm0 =	vlt.f32 v24, v8  }
0xcd: {  	v8 =	vsel vm0, v24, v8;
	v1 =	vsel vm0, s17, v1;
	vm0 =	vlt.f32 v26, v14  }
0xce: {  	vm1 =	vlt.f32 v8, v18;
	v14 =	vsel vm0, v26, v14;
	v3 =	vsel vm0, s17, v3  }
0xcf: {  	v22 =	vsel vm1, v8, v18;
	v23 =	vsel vm1, v1, v2;
	v8 =	vsel vm1, v18, v8  }
.Ltmp4:
0xd0: {  	v1 =	vsel vm1, v2, v1;
	vm0 =	vlt.f32 v14, v16;
	vm2 =	vlt.f32 v22, v27;
	(pc) =	sbr.rel @p0 .LBB2_10-.Ltmp4, $4  }
0xd1: {  	v12 =	vsel vm0, v3, v5;
	v24 =	vsel vm2, v22, v27;
	v15 =	vsel vm2, v23, v29  }
0xd2: {  	v26 =	vsel vm0, v14, v16;
	v2 =	vsel vm2, v29, v23;
	vm1 =	vlt.f32 v24, v4  }
0xd3: {  	v18 =	vsel vm2, v27, v22;
	vm2 =	vlt.f32 v26, v19;
	v25 =	vsel vm1, v24, v4  }
0xd4: {  	s11 =	sadd.s32 $0x80, s11;
	s12 =	sadd.s32 $0x100, s12;
	s14 =	smov.u32 s13;
	v22 =	vsel vm2, v12, v7;
	v16 =	vsel vm2, v19, v26;
	v23 =	vsel vm1, v15, v28  }
0xd5: {  	vm4 =	vlt.f32 v25, v10;
	[tilespmem:$0x6D80] =	vst v2  }
0xd6: {  	v4 =	vsel vm2, v26, v19;
	[tilespmem:$0x6E00] =	vst v1;
	v8 =	vsel vm4, v23, v0  }
0xd7: {  	vm3 =	vlt.f32 v4, v20;
	v0 =	vsel vm4, v0, v23;
	[tilespmem:$0x6C00] =	vst v8  }
0xd8: {  	v4 =	vsel vm3, v4, v20;
	[tilespmem:$0x6C80] =	vst v0;
	v0 =	vsel vm1, v9, v15  }
0xd9: {  	v10 =	vsel vm3, v22, v6;
	vm5 =	vlt.f32 v4, v11;
	[tilespmem:$0x6D00] =	vst v0;
	v0 =	vsel vm2, v7, v12  }
0xda: {  	v4 =	vsel vm5, v10, v13;
	[tilespmem:$0x6D90] =	vst v0  }
0xdb: {  	v0 =	vsel vm0, v5, v3;
	[tilespmem:$0x6C10] =	vst v4  }
0xdc: {  	s11 =	simm.s32 $0x0;
	v4 =	vsel vm5, v13, v10;
	[tilespmem:$0x6E10] =	vst v0  }
0xdd: {  	s12 =	sand.u32 $0x7800, s11;
	s13 =	sand.u32 $0x380, s11;
	[tilespmem:$0x6C90] =	vst v4;
	v4 =	vsel vm3, v6, v22  }
0xde: {  	s12 =	sor.u32 s13, s12;
	[tilespmem:$0x6D10] =	vst v4  }
0xdf: {  	v1 =	vld [tilespmem:s12+$0x420]  }
0xe0: {  	v2 =	vld [tilespmem:s12+$0x430]  }
0xe1: {  	v19 =	vimm.f32 $+Inf;
	v17 =	vimm.f32 $+Inf  }
0xe2: {  	v21 =	vimm.f32 $+Inf;
	v20 =	vimm.f32 $+Inf;
	v9 =	vimm.s32 $0x0  }
0xe3: {  	v11 =	vimm.f32 $+Inf;
	v7 =	vimm.s32 $0x0;
	v4 =	vimm.f32 $+Inf  }
0xe4: {  	v0 =	vimm.s32 $0x0;
	v10 =	vimm.f32 $+Inf;
	vm0 =	vlt.f32 v1, v4  }
0xe5: {  	v13 =	vimm.s32 $0x0;
	vm1 =	vlt.f32 v2, v4;
	v1 =	vsel vm0, v1, v4  }
0xe6: {  	v5 =	vsel vm0, s11, v0;
	v14 =	vsel vm1, v2, v4;
	vm0 =	vlt.f32 v1, v4  }
0xe7: {  	v3 =	vsel vm1, s11, v0;
	v6 =	vsel vm0, v1, v4;
	v2 =	vsel vm0, v5, v0  }
0xe8: {  	v8 =	vsel vm0, v4, v1;
	v1 =	vsel vm0, v0, v5;
	vm0 =	vlt.f32 v14, v4  }
0xe9: {  	v5 =	vimm.s32 $0x0;
	vm2 =	vlt.f32 v6, v4;
	v12 =	vsel vm0, v3, v0  }
0xea: {  	v26 =	vsel vm0, v14, v4;
	v24 =	vsel vm2, v6, v4;
	v15 =	vsel vm2, v2, v0  }
0xeb: {  	v2 =	vsel vm2, v0, v2;
	v18 =	vsel vm2, v4, v6;
	vm2 =	vlt.f32 v26, v4  }
0xec: {  	v6 =	vimm.s32 $0x0;
	vm1 =	vlt.f32 v24, v4;
	v22 =	vsel vm2, v12, v0  }
0xed: {  	s14 =	simm.s32 $0x1;
	s12 =	simm.s32 $0x100;
	s11 =	simm.s32 $0x80;
	v16 =	vsel vm2, v4, v26;
	v25 =	vsel vm1, v24, v4;
	v23 =	vsel vm1, v15, v0  }
.LBB2_12:
0xee: {  	s15 =	sand.u32 $0x7800, s12  }
0xef: {  	s16 =	sand.u32 $0x380, s11;
	v27 =	vsel vm1, v4, v24;
	vm3 =	vlt.f32 v25, v10;
	v19 =	vsel vm2, v26, v19;
	s17 =	smov.u32 s14;
	s13 =	sadd.s32 $0x1, s14  }
0xf0: {  	p0 =	sne.s32 s14, $0x63;
	s15 =	sor.u32 s16, s15;
	v4 =	vsel vm3, v10, v25;
	v28 =	vsel vm3, v0, v23;
	vm4 =	vlt.f32 v19, v20  }
0xf1: {  	v10 =	vsel vm3, v25, v10;
	v24 =	vld [tilespmem:s15+$0x420];
	v25 =	vsel vm4, v19, v20;
	v19 =	vsel vm4, v20, v19  }
0xf2: {  	v0 =	vsel vm3, v23, v0;
	v23 =	vsel vm4, v22, v6;
	v26 =	vld [tilespmem:s15+$0x430];
	vm3 =	vlt.f32 v25, v11  }
0xf3: {  	v14 =	vsel vm0, v17, v14;
	v3 =	vsel vm0, v5, v3;
	v17 =	vmovc v16;
	v11 =	vsel vm3, v25, v11  }
0xf4: {  	v29 =	vsel vm1, v9, v15;
	v5 =	vsel vm2, v7, v12;
	v7 =	vsel vm4, v6, v22;
	v9 =	vmovc v28  }
0xf5: {  	v20 =	vsel vm3, v21, v25;
	v6 =	vsel vm3, v13, v23;
	v13 =	vsel vm3, v23, v13;
	v21 =	vmovc v11  }
0xf6: {  	vm0 =	vlt.f32 v24, v8  }
0xf7: {  	v8 =	vsel vm0, v24, v8;
	v1 =	vsel vm0, s17, v1;
	vm0 =	vlt.f32 v26, v14  }
0xf8: {  	vm1 =	vlt.f32 v8, v18;
	v14 =	vsel vm0, v26, v14;
	v3 =	vsel vm0, s17, v3  }
0xf9: {  	v22 =	vsel vm1, v8, v18;
	v23 =	vsel vm1, v1, v2;
	v8 =	vsel vm1, v18, v8  }
.Ltmp5:
0xfa: {  	v1 =	vsel vm1, v2, v1;
	vm0 =	vlt.f32 v14, v16;
	vm2 =	vlt.f32 v22, v27;
	(pc) =	sbr.rel @p0 .LBB2_12-.Ltmp5, $4  }
0xfb: {  	v12 =	vsel vm0, v3, v5;
	v24 =	vsel vm2, v22, v27;
	v15 =	vsel vm2, v23, v29  }
0xfc: {  	v26 =	vsel vm0, v14, v16;
	v2 =	vsel vm2, v29, v23;
	vm1 =	vlt.f32 v24, v4  }
0xfd: {  	v18 =	vsel vm2, v27, v22;
	vm2 =	vlt.f32 v26, v19;
	v25 =	vsel vm1, v24, v4  }
0xfe: {  	s11 =	sadd.s32 $0x80, s11;
	s12 =	sadd.s32 $0x100, s12;
	s14 =	smov.u32 s13;
	v22 =	vsel vm2, v12, v7;
	v16 =	vsel vm2, v19, v26;
	v23 =	vsel vm1, v15, v28  }
0xff: {  	vm4 =	vlt.f32 v25, v10;
	[tilespmem:$0x6DA0] =	vst v2  }
0x100: {  	v4 =	vsel vm2, v26, v19;
	[tilespmem:$0x6E20] =	vst v1;
	v8 =	vsel vm4, v23, v0  }
0x101: {  	vm3 =	vlt.f32 v4, v20;
	v0 =	vsel vm4, v0, v23;
	[tilespmem:$0x6C20] =	vst v8  }
0x102: {  	v4 =	vsel vm3, v4, v20;
	[tilespmem:$0x6CA0] =	vst v0;
	v0 =	vsel vm1, v9, v15  }
0x103: {  	v10 =	vsel vm3, v22, v6;
	vm5 =	vlt.f32 v4, v11;
	[tilespmem:$0x6D20] =	vst v0;
	v0 =	vsel vm2, v7, v12  }
0x104: {  	v4 =	vsel vm5, v10, v13;
	[tilespmem:$0x6DB0] =	vst v0  }
0x105: {  	v0 =	vsel vm0, v5, v3;
	[tilespmem:$0x6C30] =	vst v4  }
0x106: {  	s11 =	simm.s32 $0x0;
	v4 =	vsel vm5, v13, v10;
	[tilespmem:$0x6E30] =	vst v0  }
0x107: {  	s12 =	sand.u32 $0x7800, s11;
	s13 =	sand.u32 $0x380, s11;
	[tilespmem:$0x6CB0] =	vst v4;
	v4 =	vsel vm3, v6, v22  }
0x108: {  	s12 =	sor.u32 s13, s12;
	[tilespmem:$0x6D30] =	vst v4  }
0x109: {  	v1 =	vld [tilespmem:s12+$0x440]  }
0x10a: {  	v2 =	vld [tilespmem:s12+$0x450]  }
0x10b: {  	v19 =	vimm.f32 $+Inf;
	v17 =	vimm.f32 $+Inf  }
0x10c: {  	v21 =	vimm.f32 $+Inf;
	v20 =	vimm.f32 $+Inf;
	v9 =	vimm.s32 $0x0  }
0x10d: {  	v11 =	vimm.f32 $+Inf;
	v7 =	vimm.s32 $0x0;
	v4 =	vimm.f32 $+Inf  }
0x10e: {  	v0 =	vimm.s32 $0x0;
	v10 =	vimm.f32 $+Inf;
	vm0 =	vlt.f32 v1, v4  }
0x10f: {  	v13 =	vimm.s32 $0x0;
	vm1 =	vlt.f32 v2, v4;
	v1 =	vsel vm0, v1, v4  }
0x110: {  	v5 =	vsel vm0, s11, v0;
	v14 =	vsel vm1, v2, v4;
	vm0 =	vlt.f32 v1, v4  }
0x111: {  	v3 =	vsel vm1, s11, v0;
	v6 =	vsel vm0, v1, v4;
	v2 =	vsel vm0, v5, v0  }
0x112: {  	v8 =	vsel vm0, v4, v1;
	v1 =	vsel vm0, v0, v5;
	vm0 =	vlt.f32 v14, v4  }
0x113: {  	v5 =	vimm.s32 $0x0;
	vm2 =	vlt.f32 v6, v4;
	v12 =	vsel vm0, v3, v0  }
0x114: {  	v26 =	vsel vm0, v14, v4;
	v24 =	vsel vm2, v6, v4;
	v15 =	vsel vm2, v2, v0  }
0x115: {  	v2 =	vsel vm2, v0, v2;
	v18 =	vsel vm2, v4, v6;
	vm2 =	vlt.f32 v26, v4  }
0x116: {  	v6 =	vimm.s32 $0x0;
	vm1 =	vlt.f32 v24, v4;
	v22 =	vsel vm2, v12, v0  }
0x117: {  	s14 =	simm.s32 $0x1;
	s12 =	simm.s32 $0x100;
	s11 =	simm.s32 $0x80;
	v16 =	vsel vm2, v4, v26;
	v25 =	vsel vm1, v24, v4;
	v23 =	vsel vm1, v15, v0  }
.LBB2_14:
0x118: {  	s15 =	sand.u32 $0x7800, s12  }
0x119: {  	s16 =	sand.u32 $0x380, s11;
	v27 =	vsel vm1, v4, v24;
	vm3 =	vlt.f32 v25, v10;
	v19 =	vsel vm2, v26, v19;
	s17 =	smov.u32 s14;
	s13 =	sadd.s32 $0x1, s14  }
0x11a: {  	p0 =	sne.s32 s14, $0x63;
	s15 =	sor.u32 s16, s15;
	v4 =	vsel vm3, v10, v25;
	v28 =	vsel vm3, v0, v23;
	vm4 =	vlt.f32 v19, v20  }
0x11b: {  	v10 =	vsel vm3, v25, v10;
	v24 =	vld [tilespmem:s15+$0x440];
	v25 =	vsel vm4, v19, v20;
	v19 =	vsel vm4, v20, v19  }
0x11c: {  	v0 =	vsel vm3, v23, v0;
	v23 =	vsel vm4, v22, v6;
	v26 =	vld [tilespmem:s15+$0x450];
	vm3 =	vlt.f32 v25, v11  }
0x11d: {  	v14 =	vsel vm0, v17, v14;
	v3 =	vsel vm0, v5, v3;
	v17 =	vmovc v16;
	v11 =	vsel vm3, v25, v11  }
0x11e: {  	v29 =	vsel vm1, v9, v15;
	v5 =	vsel vm2, v7, v12;
	v7 =	vsel vm4, v6, v22;
	v9 =	vmovc v28  }
0x11f: {  	v20 =	vsel vm3, v21, v25;
	v6 =	vsel vm3, v13, v23;
	v13 =	vsel vm3, v23, v13;
	v21 =	vmovc v11  }
0x120: {  	vm0 =	vlt.f32 v24, v8  }
0x121: {  	v8 =	vsel vm0, v24, v8;
	v1 =	vsel vm0, s17, v1;
	vm0 =	vlt.f32 v26, v14  }
0x122: {  	vm1 =	vlt.f32 v8, v18;
	v14 =	vsel vm0, v26, v14;
	v3 =	vsel vm0, s17, v3  }
0x123: {  	v22 =	vsel vm1, v8, v18;
	v23 =	vsel vm1, v1, v2;
	v8 =	vsel vm1, v18, v8  }
.Ltmp6:
0x124: {  	v1 =	vsel vm1, v2, v1;
	vm0 =	vlt.f32 v14, v16;
	vm2 =	vlt.f32 v22, v27;
	(pc) =	sbr.rel @p0 .LBB2_14-.Ltmp6, $4  }
0x125: {  	v12 =	vsel vm0, v3, v5;
	v24 =	vsel vm2, v22, v27;
	v15 =	vsel vm2, v23, v29  }
0x126: {  	v26 =	vsel vm0, v14, v16;
	v2 =	vsel vm2, v29, v23;
	vm1 =	vlt.f32 v24, v4  }
0x127: {  	v18 =	vsel vm2, v27, v22;
	vm2 =	vlt.f32 v26, v19;
	v25 =	vsel vm1, v24, v4  }
0x128: {  	s11 =	sadd.s32 $0x80, s11;
	s12 =	sadd.s32 $0x100, s12;
	s14 =	smov.u32 s13;
	v22 =	vsel vm2, v12, v7;
	v16 =	vsel vm2, v19, v26;
	v23 =	vsel vm1, v15, v28  }
0x129: {  	vm4 =	vlt.f32 v25, v10;
	[tilespmem:$0x6DC0] =	vst v2  }
0x12a: {  	v4 =	vsel vm2, v26, v19;
	[tilespmem:$0x6E40] =	vst v1;
	v8 =	vsel vm4, v23, v0  }
0x12b: {  	vm3 =	vlt.f32 v4, v20;
	v0 =	vsel vm4, v0, v23;
	[tilespmem:$0x6C40] =	vst v8  }
0x12c: {  	v4 =	vsel vm3, v4, v20;
	[tilespmem:$0x6CC0] =	vst v0;
	v0 =	vsel vm1, v9, v15  }
0x12d: {  	v10 =	vsel vm3, v22, v6;
	vm5 =	vlt.f32 v4, v11;
	[tilespmem:$0x6D40] =	vst v0;
	v0 =	vsel vm2, v7, v12  }
0x12e: {  	v4 =	vsel vm5, v10, v13;
	[tilespmem:$0x6DD0] =	vst v0  }
0x12f: {  	v0 =	vsel vm0, v5, v3;
	[tilespmem:$0x6C50] =	vst v4  }
0x130: {  	s11 =	simm.s32 $0x0;
	v4 =	vsel vm5, v13, v10;
	[tilespmem:$0x6E50] =	vst v0  }
0x131: {  	s12 =	sand.u32 $0x7800, s11;
	s13 =	sand.u32 $0x380, s11;
	[tilespmem:$0x6CD0] =	vst v4;
	v4 =	vsel vm3, v6, v22  }
0x132: {  	s12 =	sor.u32 s13, s12;
	[tilespmem:$0x6D50] =	vst v4  }
0x133: {  	v1 =	vld [tilespmem:s12+$0x460]  }
0x134: {  	v2 =	vld [tilespmem:s12+$0x470]  }
0x135: {  	v19 =	vimm.f32 $+Inf;
	v17 =	vimm.f32 $+Inf  }
0x136: {  	v21 =	vimm.f32 $+Inf;
	v20 =	vimm.f32 $+Inf;
	v9 =	vimm.s32 $0x0  }
0x137: {  	v11 =	vimm.f32 $+Inf;
	v7 =	vimm.s32 $0x0;
	v4 =	vimm.f32 $+Inf  }
0x138: {  	v0 =	vimm.s32 $0x0;
	v10 =	vimm.f32 $+Inf;
	vm0 =	vlt.f32 v1, v4  }
0x139: {  	v13 =	vimm.s32 $0x0;
	vm1 =	vlt.f32 v2, v4;
	v1 =	vsel vm0, v1, v4  }
0x13a: {  	v5 =	vsel vm0, s11, v0;
	v14 =	vsel vm1, v2, v4;
	vm0 =	vlt.f32 v1, v4  }
0x13b: {  	v3 =	vsel vm1, s11, v0;
	v6 =	vsel vm0, v1, v4;
	v2 =	vsel vm0, v5, v0  }
0x13c: {  	v8 =	vsel vm0, v4, v1;
	v1 =	vsel vm0, v0, v5;
	vm0 =	vlt.f32 v14, v4  }
0x13d: {  	v5 =	vimm.s32 $0x0;
	vm2 =	vlt.f32 v6, v4;
	v12 =	vsel vm0, v3, v0  }
0x13e: {  	v26 =	vsel vm0, v14, v4;
	v24 =	vsel vm2, v6, v4;
	v15 =	vsel vm2, v2, v0  }
0x13f: {  	v2 =	vsel vm2, v0, v2;
	v18 =	vsel vm2, v4, v6;
	vm2 =	vlt.f32 v26, v4  }
0x140: {  	v6 =	vimm.s32 $0x0;
	vm1 =	vlt.f32 v24, v4;
	v22 =	vsel vm2, v12, v0  }
0x141: {  	s14 =	simm.s32 $0x1;
	s12 =	simm.s32 $0x100;
	s11 =	simm.s32 $0x80;
	v16 =	vsel vm2, v4, v26;
	v25 =	vsel vm1, v24, v4;
	v23 =	vsel vm1, v15, v0  }
.LBB2_16:
0x142: {  	s15 =	sand.u32 $0x7800, s12  }
0x143: {  	s16 =	sand.u32 $0x380, s11;
	v27 =	vsel vm1, v4, v24;
	vm3 =	vlt.f32 v25, v10;
	v19 =	vsel vm2, v26, v19;
	s17 =	smov.u32 s14;
	s13 =	sadd.s32 $0x1, s14  }
0x144: {  	p0 =	sne.s32 s14, $0x63;
	s15 =	sor.u32 s16, s15;
	v4 =	vsel vm3, v10, v25;
	v28 =	vsel vm3, v0, v23;
	vm4 =	vlt.f32 v19, v20  }
0x145: {  	v10 =	vsel vm3, v25, v10;
	v24 =	vld [tilespmem:s15+$0x460];
	v25 =	vsel vm4, v19, v20;
	v19 =	vsel vm4, v20, v19  }
0x146: {  	v0 =	vsel vm3, v23, v0;
	v23 =	vsel vm4, v22, v6;
	v26 =	vld [tilespmem:s15+$0x470];
	vm3 =	vlt.f32 v25, v11  }
0x147: {  	v14 =	vsel vm0, v17, v14;
	v3 =	vsel vm0, v5, v3;
	v17 =	vmovc v16;
	v11 =	vsel vm3, v25, v11  }
0x148: {  	v29 =	vsel vm1, v9, v15;
	v5 =	vsel vm2, v7, v12;
	v7 =	vsel vm4, v6, v22;
	v9 =	vmovc v28  }
0x149: {  	v20 =	vsel vm3, v21, v25;
	v6 =	vsel vm3, v13, v23;
	v13 =	vsel vm3, v23, v13;
	v21 =	vmovc v11  }
0x14a: {  	vm0 =	vlt.f32 v24, v8  }
0x14b: {  	v8 =	vsel vm0, v24, v8;
	v1 =	vsel vm0, s17, v1;
	vm0 =	vlt.f32 v26, v14  }
0x14c: {  	vm1 =	vlt.f32 v8, v18;
	v14 =	vsel vm0, v26, v14;
	v3 =	vsel vm0, s17, v3  }
0x14d: {  	v22 =	vsel vm1, v8, v18;
	v23 =	vsel vm1, v1, v2;
	v8 =	vsel vm1, v18, v8  }
.Ltmp7:
0x14e: {  	v1 =	vsel vm1, v2, v1;
	vm0 =	vlt.f32 v14, v16;
	vm2 =	vlt.f32 v22, v27;
	(pc) =	sbr.rel @p0 .LBB2_16-.Ltmp7, $4  }
0x14f: {  	v12 =	vsel vm0, v3, v5;
	v24 =	vsel vm2, v22, v27;
	v15 =	vsel vm2, v23, v29  }
0x150: {  	v26 =	vsel vm0, v14, v16;
	v2 =	vsel vm2, v29, v23;
	vm1 =	vlt.f32 v24, v4  }
0x151: {  	v18 =	vsel vm2, v27, v22;
	vm2 =	vlt.f32 v26, v19;
	v25 =	vsel vm1, v24, v4  }
0x152: {  	s11 =	sadd.s32 $0x80, s11;
	s12 =	sadd.s32 $0x100, s12;
	s14 =	smov.u32 s13;
	v22 =	vsel vm2, v12, v7;
	v16 =	vsel vm2, v19, v26;
	v23 =	vsel vm1, v15, v28  }
0x153: {  	[tilespmem:$0x6DE0] =	vst v2  }
0x154: {  	v60 =	vsel vm1, v9, v15;
	[tilespmem:$0x6E60] =	vst v1  }
0x155: {  	v62 =	vsel vm2, v7, v12;
	[tilespmem:$0x6D60] =	vst v60  }
0x156: {  	v4 =	vsel vm2, v26, v19;
	vm4 =	vlt.f32 v25, v10;
	v63 =	vsel vm0, v5, v3;
	[tilespmem:$0x6DF0] =	vst v62  }
0x157: {  	vm3 =	vlt.f32 v4, v20;
	v8 =	vsel vm4, v23, v0;
	[tilespmem:$0x6E70] =	vst v63  }
0x158: {  	v58 =	vsel vm4, v0, v23;
	v4 =	vsel vm3, v4, v20;
	[tilespmem:$0x6C60] =	vst v8  }
0x159: {  	v57 =	vsel vm3, v22, v6;
	[tilespmem:$0x6CE0] =	vst v58;
	v61 =	vsel vm3, v6, v22;
	vm5 =	vlt.f32 v4, v11  }
0x15a: {  	s10 =	sadd.s32 $0x1, s10;
	[tilespmem:$0x6D70] =	vst v61;
	v4 =	vsel vm5, v57, v13  }
0x15b: {  	p0 =	sne.s32 s10, s5;
	v59 =	vsel vm5, v13, v57;
	[tilespmem:$0x6C70] =	vst v4  }
.Ltmp8:
0x15c: {  	[tilespmem:$0x6CF0] =	vst v59;
	(pc) =	sbr.rel @p0 .LBB2_1-.Ltmp8, $4  }
0x15d: {  	[hbm4b:s4+s2] =	stream.linear.scatter [tilespmem:s9], [sflag:$0x1], $0x800, $0x38;
	[tilespmem:$0x7000] =	vst v63  }
0x15e: {  	_ =	swait.ge [sflag:s8], $0x800  }
0x15f: {  	[sflag:s8] =	ssyncset.done $0x0  }
0x160: {  	[sflag:s8] =	ssyncadd.s32 $0xFFFFF800  }
0x161: {  	_ =	sfence.sel $0x180000  }
0x162: {  	[bflag:$0x0] =	sbarrier.arrive $0xFFFF  }
0x163: {  	p0 =	sne.s32 s1, $0x0;
	_ =	strace $0x90000047  }
0x164: {  	s0 =	sadd.s32 @!p0 $0x100000, s0;
	[bflag:$0x2] =	sbarrier.arrive $0xFFFF  }
0x165: {  	[sflag:s0] =	ssyncadd.tile.s32 @!p0 $0x1;
	_ =	shalt  }
.Lfunc_end2:
_tile_overlayer_lowered:
.L_overlay_start_2:
0x166: {  	(tag) =	ssettag $0x2  }
0x167: {  	s0 =	rddreg [dreg:$0x0];
	s2 =	stileid.u32  }
0x168: {  	s1 =	rddreg [dreg:$0x1];
	p0 =	sne.s32 s2, $0x0  }
0x169: {  	s3 =	rddreg [dreg:$0x2];
	[bflag:$0x3] =	sbarrier.arrive $0xFFFF;
	s2 =	simm.s32 @!p0 $0x1C01  }
0x16a: {  	[timem:s3], [sflag:s2] =	dma.local @!p0 [hbm:s0], s1  }
0x16b: {  	s0 =	simm.s32 @!p0 $0x1  }
0x16c: {  	_ =	swait.ge @!p0 [sflag:s0], s1  }
0x16d: {  	s1 =	ssub.s32 @!p0 $0x0, s1;
	[sflag:s0] =	ssyncset.done @!p0 $0x0  }
0x16e: {  	[sflag:s0] =	ssyncadd.s32 @!p0 s1  }
0x16f: {  	[bflag:$0x3] =	sbarrier.arrive $0xFFFF  }
0x170: {  	_ =	shalt  }

</sc_bundles>
